<compile_context>
chip_gen: v7x
topology: tpu7x:2x2x1
jax: 0.10.2.dev20260603
libtpu: 0.0.44.dev20260713+nightly
codegen_flags: <defaults>
</compile_context>

<pallas_src>
import functools

import jax
import jax.numpy as jnp
from jax import lax
from jax.experimental import pallas as pl
from jax.experimental.pallas import tpu as pltpu
from jax.experimental.pallas import tpu_sc as plsc

BATCH = 16384
TYPE_DIM = 64
PRICE_DIM = 32
GROUP_DIM = 32

NUM_CORES = 2
NUM_WORKERS = 32
ROWS_PER_WORKER = BATCH // NUM_WORKERS
CHUNK = 128
NUM_ROUNDS = ROWS_PER_WORKER // CHUNK


def _merge_row(trows, prows, grows, k):
    trows[k, pl.ds(64, 16)] = prows[k, pl.ds(0, 16)]
    trows[k, pl.ds(80, 16)] = prows[k, pl.ds(16, 16)]
    trows[k, pl.ds(96, 16)] = grows[k, pl.ds(0, 16)]
    trows[k, pl.ds(112, 16)] = grows[k, pl.ds(16, 16)]


@functools.partial(
    pl.kernel,
    mesh=plsc.VectorSubcoreMesh(core_axis_name="c", subcore_axis_name="s"),
    out_type=jax.ShapeDtypeStruct((BATCH, 128), jnp.float32),
    scratch_types=[
        pltpu.VMEM((NUM_ROUNDS, CHUNK), jnp.int32),
        pltpu.VMEM((NUM_ROUNDS, CHUNK), jnp.int32),
        pltpu.VMEM((NUM_ROUNDS, CHUNK), jnp.int32),
        pltpu.VMEM((CHUNK, 128), jnp.float32),
        pltpu.VMEM((CHUNK, 128), jnp.float32),
        pltpu.VMEM((CHUNK, 128), jnp.float32),
        pltpu.SemaphoreType.DMA,
        pltpu.SemaphoreType.DMA,
        pltpu.SemaphoreType.DMA,
    ],
)
def _sc_call(types_hbm, prices_hbm, iota_hbm, ttab_hbm, ptab_hbm, gtab_hbm,
             out_hbm, idx_t, idx_p, idx_g, trows, prows, grows,
             sem_t, sem_p, sem_g):
    wid = lax.axis_index("s") * NUM_CORES + lax.axis_index("c")
    base = wid * ROWS_PER_WORKER
    row0 = wid * NUM_ROUNDS

    pltpu.sync_copy(types_hbm.at[pl.ds(row0, NUM_ROUNDS)], idx_t)
    pltpu.sync_copy(prices_hbm.at[pl.ds(row0, NUM_ROUNDS)], idx_p)
    pltpu.sync_copy(iota_hbm.at[pl.ds(row0, NUM_ROUNDS)], idx_g)

    for j in range(NUM_ROUNDS):
        tcp = pltpu.async_copy(ttab_hbm.at[idx_t.at[j]], trows, sem_t)
        pcp = pltpu.async_copy(ptab_hbm.at[idx_p.at[j]], prows, sem_p)
        gcp = pltpu.async_copy(gtab_hbm.at[idx_g.at[j]], grows, sem_g)
        tcp.wait()
        pcp.wait()
        gcp.wait()

        def body(k, carry):
            _merge_row(trows, prows, grows, k)
            return carry

        lax.fori_loop(0, CHUNK, body, 0)
        pltpu.sync_copy(trows, out_hbm.at[pl.ds(base + j * CHUNK, CHUNK)])


def kernel(all_types, all_prices, all_groups, type_table, price_table):
    ttab = jnp.pad(type_table, ((0, 0), (0, 128 - TYPE_DIM)))
    ptab = jnp.pad(price_table, ((0, 0), (0, 128 - PRICE_DIM)))
    gtab = jnp.pad(all_groups, ((0, 0), (0, 128 - GROUP_DIM)))
    types2d = all_types.astype(jnp.int32).reshape(BATCH // CHUNK, CHUNK)
    prices2d = all_prices.astype(jnp.int32).reshape(BATCH // CHUNK, CHUNK)
    iota2d = jnp.arange(BATCH, dtype=jnp.int32).reshape(BATCH // CHUNK, CHUNK)
    return _sc_call(types2d, prices2d, iota2d, ttab, ptab, gtab)

# --- scband reference (transcript-rebuilt; emitter-appended) ---
"""Pipeline reference for scband-gcn-shop-mlp-4329327034971 (READ-ONLY COPY).

The authoritative reference and input builder live on the scoring server;
editing this copy changes nothing except your own understanding.
"""

import jax, jax.numpy as jnp
import numpy as np

N_TYPES = 100000
TYPE_DIM = 64
N_PRICES = 1000
PRICE_DIM = 32
BATCH = 16384
GROUP_DIM = 32


def setup_inputs(seed: int = 0) -> dict:
    key = jax.random.key(seed)
    k1, k2, k3, k4, k5 = jax.random.split(key, 5)
    all_types = jax.random.randint(k1, (BATCH,), 0, N_TYPES)
    all_prices = jax.random.randint(k2, (BATCH,), 0, N_PRICES)
    all_groups = jax.random.normal(k3, (BATCH, GROUP_DIM), dtype=jnp.float32)
    # Embedding tables (padding row at index n_* is zero, matching torch padding_idx init)
    type_table = jax.random.normal(k4, (N_TYPES + 1, TYPE_DIM), dtype=jnp.float32)
    type_table = type_table.at[N_TYPES].set(0.0)
    price_table = jax.random.normal(k5, (N_PRICES + 1, PRICE_DIM), dtype=jnp.float32)
    price_table = price_table.at[N_PRICES].set(0.0)
    return {
        "all_types": all_types,
        "all_prices": all_prices,
        "all_groups": all_groups,
        "type_table": type_table,
        "price_table": price_table,
    }


def reference(all_types, all_prices, all_groups, type_table, price_table):
    # GNN_embedding_types(all_types.long())
    type_emb = jnp.take(type_table, all_types, axis=0)
    # embedding_GNN_prices(all_prices.long())
    price_emb = jnp.take(price_table, all_prices, axis=0)
    # torch.cat([..., all_groups.view(B, -1)], dim=-1)
    groups_flat = all_groups.reshape(all_groups.shape[0], -1)
    return jnp.concatenate([type_emb, price_emb, groups_flat], axis=-1)

if __name__ == "__main__":
    import jax
    _d = setup_inputs()
    print(jax.jit(kernel)(*tuple(_d.values())))

</pallas_src>

<mosaic_0001>
#map = affine_map<(d0, d1) -> (0, 0)>
module attributes {stable_mosaic.version = 14 : i64} {
  func.func @_sc_call(%arg0: i32, %arg1: i32, %arg2: memref<128x128xi32, #tpu.memory_space<hbm>>, %arg3: memref<128x128xi32, #tpu.memory_space<hbm>>, %arg4: memref<128x128xi32, #tpu.memory_space<hbm>>, %arg5: memref<100001x128xf32, #tpu.memory_space<hbm>>, %arg6: memref<1001x128xf32, #tpu.memory_space<hbm>>, %arg7: memref<16384x128xf32, #tpu.memory_space<hbm>>, %arg8: memref<16384x128xf32, #tpu.memory_space<hbm>>, %arg9: memref<4x128xi32, #tpu.memory_space<vmem>>, %arg10: memref<4x128xi32, #tpu.memory_space<vmem>>, %arg11: memref<4x128xi32, #tpu.memory_space<vmem>>, %arg12: memref<128x128xf32, #tpu.memory_space<vmem>>, %arg13: memref<128x128xf32, #tpu.memory_space<vmem>>, %arg14: memref<128x128xf32, #tpu.memory_space<vmem>>, %arg15: memref<!tpu.dma_semaphore, #tpu.memory_space<semaphore_mem>>, %arg16: memref<!tpu.dma_semaphore, #tpu.memory_space<semaphore_mem>>, %arg17: memref<!tpu.dma_semaphore, #tpu.memory_space<semaphore_mem>>) attributes {dimension_semantics = [#tpu.dimension_semantics<core_parallel>, #tpu.dimension_semantics<subcore_parallel>], iteration_bounds = array<i64: 2, 16>, scalar_prefetch = 0 : i64, scratch_operands = 9 : i64, tpu.core_type = #tpu.core_type<sc_vector_subcore>, window_params = [{transform_indices = #map}, {transform_indices = #map}, {transform_indices = #map}, {transform_indices = #map}, {transform_indices = #map}, {transform_indices = #map}, {transform_indices = #map}]} {
    %mul3A = arith.constant 2 : i32
    %mul3A_0 = arith.muli %arg1, %mul3A : i32
    %add3A = arith.addi %mul3A_0, %arg0 : i32
    %mul3A_1 = arith.constant 512 : i32
    %mul3A_2 = arith.muli %add3A, %mul3A_1 : i32
    %mul3A_3 = arith.constant 4 : i32
    %mul3A_4 = arith.muli %add3A, %mul3A_3 : i32
    "tpu.region"() ({
      %run_scoped3A = tpu.sem_alloc : memref<!tpu.dma_semaphore, #tpu.memory_space<semaphore_mem>>
      %dma_start3A_202 = arith.constant 0 : i32
      %dma_start3A_203 = tpu.memref_slice %arg2[%mul3A_4, %dma_start3A_202] : memref<128x128xi32, #tpu.memory_space<hbm>> -> memref<4x128xi32, #tpu.memory_space<hbm>>
      %dma_start3A_204 = arith.constant 0 : i32
      %dma_start3A_205 = tpu.memref_slice %arg2[%mul3A_4, %dma_start3A_204] : memref<128x128xi32, #tpu.memory_space<hbm>> -> memref<4x128xi32, #tpu.memory_space<hbm>>
      tpu.enqueue_dma source(%dma_start3A_205 : memref<4x128xi32, #tpu.memory_space<hbm>>) target(%arg9 : memref<4x128xi32, #tpu.memory_space<vmem>>) target_semaphore(%run_scoped3A : memref<!tpu.dma_semaphore, #tpu.memory_space<semaphore_mem>>)
      %dma_wait3A_206 = arith.constant 0 : i32
      %dma_wait3A_207 = tpu.memref_slice %arg2[%mul3A_4, %dma_wait3A_206] : memref<128x128xi32, #tpu.memory_space<hbm>> -> memref<4x128xi32, #tpu.memory_space<hbm>>
      %dma_wait3A_208 = arith.constant 0 : i32
      %dma_wait3A_209 = tpu.memref_slice %arg2[%mul3A_4, %dma_wait3A_208] : memref<128x128xi32, #tpu.memory_space<hbm>> -> memref<4x128xi32, #tpu.memory_space<hbm>>
      tpu.wait_dma2 semaphore(%run_scoped3A : memref<!tpu.dma_semaphore, #tpu.memory_space<semaphore_mem>>) src(%dma_wait3A_209 : memref<4x128xi32, #tpu.memory_space<hbm>>) dst(%arg9 : memref<4x128xi32, #tpu.memory_space<vmem>>)
      tpu.yield
    }) : () -> ()
    "tpu.region"() ({
      %run_scoped3A = tpu.sem_alloc : memref<!tpu.dma_semaphore, #tpu.memory_space<semaphore_mem>>
      %dma_start3A_202 = arith.constant 0 : i32
      %dma_start3A_203 = tpu.memref_slice %arg3[%mul3A_4, %dma_start3A_202] : memref<128x128xi32, #tpu.memory_space<hbm>> -> memref<4x128xi32, #tpu.memory_space<hbm>>
      %dma_start3A_204 = arith.constant 0 : i32
      %dma_start3A_205 = tpu.memref_slice %arg3[%mul3A_4, %dma_start3A_204] : memref<128x128xi32, #tpu.memory_space<hbm>> -> memref<4x128xi32, #tpu.memory_space<hbm>>
      tpu.enqueue_dma source(%dma_start3A_205 : memref<4x128xi32, #tpu.memory_space<hbm>>) target(%arg10 : memref<4x128xi32, #tpu.memory_space<vmem>>) target_semaphore(%run_scoped3A : memref<!tpu.dma_semaphore, #tpu.memory_space<semaphore_mem>>)
      %dma_wait3A_206 = arith.constant 0 : i32
      %dma_wait3A_207 = tpu.memref_slice %arg3[%mul3A_4, %dma_wait3A_206] : memref<128x128xi32, #tpu.memory_space<hbm>> -> memref<4x128xi32, #tpu.memory_space<hbm>>
      %dma_wait3A_208 = arith.constant 0 : i32
      %dma_wait3A_209 = tpu.memref_slice %arg3[%mul3A_4, %dma_wait3A_208] : memref<128x128xi32, #tpu.memory_space<hbm>> -> memref<4x128xi32, #tpu.memory_space<hbm>>
      tpu.wait_dma2 semaphore(%run_scoped3A : memref<!tpu.dma_semaphore, #tpu.memory_space<semaphore_mem>>) src(%dma_wait3A_209 : memref<4x128xi32, #tpu.memory_space<hbm>>) dst(%arg10 : memref<4x128xi32, #tpu.memory_space<vmem>>)
      tpu.yield
    }) : () -> ()
    "tpu.region"() ({
      %run_scoped3A = tpu.sem_alloc : memref<!tpu.dma_semaphore, #tpu.memory_space<semaphore_mem>>
      %dma_start3A_202 = arith.constant 0 : i32
      %dma_start3A_203 = tpu.memref_slice %arg4[%mul3A_4, %dma_start3A_202] : memref<128x128xi32, #tpu.memory_space<hbm>> -> memref<4x128xi32, #tpu.memory_space<hbm>>
      %dma_start3A_204 = arith.constant 0 : i32
      %dma_start3A_205 = tpu.memref_slice %arg4[%mul3A_4, %dma_start3A_204] : memref<128x128xi32, #tpu.memory_space<hbm>> -> memref<4x128xi32, #tpu.memory_space<hbm>>
      tpu.enqueue_dma source(%dma_start3A_205 : memref<4x128xi32, #tpu.memory_space<hbm>>) target(%arg11 : memref<4x128xi32, #tpu.memory_space<vmem>>) target_semaphore(%run_scoped3A : memref<!tpu.dma_semaphore, #tpu.memory_space<semaphore_mem>>)
      %dma_wait3A_206 = arith.constant 0 : i32
      %dma_wait3A_207 = tpu.memref_slice %arg4[%mul3A_4, %dma_wait3A_206] : memref<128x128xi32, #tpu.memory_space<hbm>> -> memref<4x128xi32, #tpu.memory_space<hbm>>
      %dma_wait3A_208 = arith.constant 0 : i32
      %dma_wait3A_209 = tpu.memref_slice %arg4[%mul3A_4, %dma_wait3A_208] : memref<128x128xi32, #tpu.memory_space<hbm>> -> memref<4x128xi32, #tpu.memory_space<hbm>>
      tpu.wait_dma2 semaphore(%run_scoped3A : memref<!tpu.dma_semaphore, #tpu.memory_space<semaphore_mem>>) src(%dma_wait3A_209 : memref<4x128xi32, #tpu.memory_space<hbm>>) dst(%arg11 : memref<4x128xi32, #tpu.memory_space<vmem>>)
      tpu.yield
    }) : () -> ()
    %dma_start3A = arith.constant 0 : i32
    %dma_start3A_5 = arith.constant 0 : i32
    %dma_start3A_6 = tpu.memref_slice %arg9[%dma_start3A, %dma_start3A_5] : memref<4x128xi32, #tpu.memory_space<vmem>> -> memref<1x128xi32, #tpu.memory_space<vmem>>
    %dma_start3A_7 = tpu.memref_squeeze %dma_start3A_6 : memref<1x128xi32, #tpu.memory_space<vmem>> -> memref<128xi32, #tpu.memory_space<vmem>>
    %dma_start3A_8 = arith.constant 0 : i32
    %dma_start3A_9 = arith.constant 0 : i32
    %dma_start3A_10 = tpu.memref_slice %arg5[%dma_start3A_8, %dma_start3A_9] : memref<100001x128xf32, #tpu.memory_space<hbm>> -> memref<100001x128xf32, #tpu.memory_space<hbm>>
    tpu.enqueue_indirect_dma source(%dma_start3A_10 : memref<100001x128xf32, #tpu.memory_space<hbm>>) target(%arg12 : memref<128x128xf32, #tpu.memory_space<vmem>>) offsets(%dma_start3A_7 : memref<128xi32, #tpu.memory_space<vmem>>) semaphore(%arg15 : memref<!tpu.dma_semaphore, #tpu.memory_space<semaphore_mem>>)
    %dma_start3A_11 = arith.constant 0 : i32
    %dma_start3A_12 = arith.constant 0 : i32
    %dma_start3A_13 = tpu.memref_slice %arg10[%dma_start3A_11, %dma_start3A_12] : memref<4x128xi32, #tpu.memory_space<vmem>> -> memref<1x128xi32, #tpu.memory_space<vmem>>
    %dma_start3A_14 = tpu.memref_squeeze %dma_start3A_13 : memref<1x128xi32, #tpu.memory_space<vmem>> -> memref<128xi32, #tpu.memory_space<vmem>>
    %dma_start3A_15 = arith.constant 0 : i32
    %dma_start3A_16 = arith.constant 0 : i32
    %dma_start3A_17 = tpu.memref_slice %arg6[%dma_start3A_15, %dma_start3A_16] : memref<1001x128xf32, #tpu.memory_space<hbm>> -> memref<1001x128xf32, #tpu.memory_space<hbm>>
    tpu.enqueue_indirect_dma source(%dma_start3A_17 : memref<1001x128xf32, #tpu.memory_space<hbm>>) target(%arg13 : memref<128x128xf32, #tpu.memory_space<vmem>>) offsets(%dma_start3A_14 : memref<128xi32, #tpu.memory_space<vmem>>) semaphore(%arg16 : memref<!tpu.dma_semaphore, #tpu.memory_space<semaphore_mem>>)
    %dma_start3A_18 = arith.constant 0 : i32
    %dma_start3A_19 = arith.constant 0 : i32
    %dma_start3A_20 = tpu.memref_slice %arg11[%dma_start3A_18, %dma_start3A_19] : memref<4x128xi32, #tpu.memory_space<vmem>> -> memref<1x128xi32, #tpu.memory_space<vmem>>
    %dma_start3A_21 = tpu.memref_squeeze %dma_start3A_20 : memref<1x128xi32, #tpu.memory_space<vmem>> -> memref<128xi32, #tpu.memory_space<vmem>>
    %dma_start3A_22 = arith.constant 0 : i32
    %dma_start3A_23 = arith.constant 0 : i32
    %dma_start3A_24 = tpu.memref_slice %arg7[%dma_start3A_22, %dma_start3A_23] : memref<16384x128xf32, #tpu.memory_space<hbm>> -> memref<16384x128xf32, #tpu.memory_space<hbm>>
    tpu.enqueue_indirect_dma source(%dma_start3A_24 : memref<16384x128xf32, #tpu.memory_space<hbm>>) target(%arg14 : memref<128x128xf32, #tpu.memory_space<vmem>>) offsets(%dma_start3A_21 : memref<128xi32, #tpu.memory_space<vmem>>) semaphore(%arg17 : memref<!tpu.dma_semaphore, #tpu.memory_space<semaphore_mem>>)
    %dma_wait3A = arith.constant 0 : i32
    %dma_wait3A_25 = arith.constant 0 : i32
    %dma_wait3A_26 = tpu.memref_slice %arg9[%dma_wait3A, %dma_wait3A_25] : memref<4x128xi32, #tpu.memory_space<vmem>> -> memref<1x128xi32, #tpu.memory_space<vmem>>
    %dma_wait3A_27 = tpu.memref_squeeze %dma_wait3A_26 : memref<1x128xi32, #tpu.memory_space<vmem>> -> memref<128xi32, #tpu.memory_space<vmem>>
    %dma_wait3A_28 = arith.constant 0 : i32
    %dma_wait3A_29 = arith.constant 0 : i32
    %dma_wait3A_30 = tpu.memref_slice %arg5[%dma_wait3A_28, %dma_wait3A_29] : memref<100001x128xf32, #tpu.memory_space<hbm>> -> memref<100001x128xf32, #tpu.memory_space<hbm>>
    tpu.wait_indirect_dma semaphore(%arg15 : memref<!tpu.dma_semaphore, #tpu.memory_space<semaphore_mem>>) src(%dma_wait3A_30 : memref<100001x128xf32, #tpu.memory_space<hbm>>) dst(%arg12 : memref<128x128xf32, #tpu.memory_space<vmem>>)
    %dma_wait3A_31 = arith.constant 0 : i32
    %dma_wait3A_32 = arith.constant 0 : i32
    %dma_wait3A_33 = tpu.memref_slice %arg10[%dma_wait3A_31, %dma_wait3A_32] : memref<4x128xi32, #tpu.memory_space<vmem>> -> memref<1x128xi32, #tpu.memory_space<vmem>>
    %dma_wait3A_34 = tpu.memref_squeeze %dma_wait3A_33 : memref<1x128xi32, #tpu.memory_space<vmem>> -> memref<128xi32, #tpu.memory_space<vmem>>
    %dma_wait3A_35 = arith.constant 0 : i32
    %dma_wait3A_36 = arith.constant 0 : i32
    %dma_wait3A_37 = tpu.memref_slice %arg6[%dma_wait3A_35, %dma_wait3A_36] : memref<1001x128xf32, #tpu.memory_space<hbm>> -> memref<1001x128xf32, #tpu.memory_space<hbm>>
    tpu.wait_indirect_dma semaphore(%arg16 : memref<!tpu.dma_semaphore, #tpu.memory_space<semaphore_mem>>) src(%dma_wait3A_37 : memref<1001x128xf32, #tpu.memory_space<hbm>>) dst(%arg13 : memref<128x128xf32, #tpu.memory_space<vmem>>)
    %dma_wait3A_38 = arith.constant 0 : i32
    %dma_wait3A_39 = arith.constant 0 : i32
    %dma_wait3A_40 = tpu.memref_slice %arg11[%dma_wait3A_38, %dma_wait3A_39] : memref<4x128xi32, #tpu.memory_space<vmem>> -> memref<1x128xi32, #tpu.memory_space<vmem>>
    %dma_wait3A_41 = tpu.memref_squeeze %dma_wait3A_40 : memref<1x128xi32, #tpu.memory_space<vmem>> -> memref<128xi32, #tpu.memory_space<vmem>>
    %dma_wait3A_42 = arith.constant 0 : i32
    %dma_wait3A_43 = arith.constant 0 : i32
    %dma_wait3A_44 = tpu.memref_slice %arg7[%dma_wait3A_42, %dma_wait3A_43] : memref<16384x128xf32, #tpu.memory_space<hbm>> -> memref<16384x128xf32, #tpu.memory_space<hbm>>
    tpu.wait_indirect_dma semaphore(%arg17 : memref<!tpu.dma_semaphore, #tpu.memory_space<semaphore_mem>>) src(%dma_wait3A_44 : memref<16384x128xf32, #tpu.memory_space<hbm>>) dst(%arg14 : memref<128x128xf32, #tpu.memory_space<vmem>>)
    %scan3A = arith.constant 0 : i32
    %scan3A_45 = arith.constant 0 : i32
    %scan3A_46 = arith.constant 128 : i32
    %scan3A_47 = arith.addi %scan3A_45, %scan3A_46 : i32
    %scan3A_48 = arith.constant 1 : i32
    scf.for %scan3A_202 = %scan3A_45 to %scan3A_47 step %scan3A_48  : i32 {
      %get3A = arith.index_cast %scan3A_202 : i32 to index
      %get3A_203 = arith.constant 0 : index
      %get3A_204 = tpu.vector_load %arg13[%get3A, %get3A_203] {strides = array<i32>} : memref<128x128xf32, #tpu.memory_space<vmem>>, vector<1x16xf32>,
      %get3A_205 = vector.shape_cast %get3A_204 : vector<1x16xf32> to vector<16xf32>
      %swap3A = arith.index_cast %scan3A_202 : i32 to index
      %swap3A_206 = arith.constant 64 : index
      %swap3A_207 = tpu.vector_load %arg12[%swap3A, %swap3A_206] {strides = array<i32>} : memref<128x128xf32, #tpu.memory_space<vmem>>, vector<1x16xf32>,
      %swap3A_208 = vector.shape_cast %swap3A_207 : vector<1x16xf32> to vector<16xf32>
      %swap3A_209 = vector.shape_cast %get3A_205 : vector<16xf32> to vector<1x16xf32>
      tpu.vector_store %arg12[%swap3A, %swap3A_206], %swap3A_209 {strides = array<i32>} : memref<128x128xf32, #tpu.memory_space<vmem>>, vector<1x16xf32>,
      %get3A_210 = arith.index_cast %scan3A_202 : i32 to index
      %get3A_211 = arith.constant 16 : index
      %get3A_212 = tpu.vector_load %arg13[%get3A_210, %get3A_211] {strides = array<i32>} : memref<128x128xf32, #tpu.memory_space<vmem>>, vector<1x16xf32>,
      %get3A_213 = vector.shape_cast %get3A_212 : vector<1x16xf32> to vector<16xf32>
      %swap3A_214 = arith.index_cast %scan3A_202 : i32 to index
      %swap3A_215 = arith.constant 80 : index
      %swap3A_216 = tpu.vector_load %arg12[%swap3A_214, %swap3A_215] {strides = array<i32>} : memref<128x128xf32, #tpu.memory_space<vmem>>, vector<1x16xf32>,
      %swap3A_217 = vector.shape_cast %swap3A_216 : vector<1x16xf32> to vector<16xf32>
      %swap3A_218 = vector.shape_cast %get3A_213 : vector<16xf32> to vector<1x16xf32>
      tpu.vector_store %arg12[%swap3A_214, %swap3A_215], %swap3A_218 {strides = array<i32>} : memref<128x128xf32, #tpu.memory_space<vmem>>, vector<1x16xf32>,
      %get3A_219 = arith.index_cast %scan3A_202 : i32 to index
      %get3A_220 = arith.constant 0 : index
      %get3A_221 = tpu.vector_load %arg14[%get3A_219, %get3A_220] {strides = array<i32>} : memref<128x128xf32, #tpu.memory_space<vmem>>, vector<1x16xf32>,
      %get3A_222 = vector.shape_cast %get3A_221 : vector<1x16xf32> to vector<16xf32>
      %swap3A_223 = arith.index_cast %scan3A_202 : i32 to index
      %swap3A_224 = arith.constant 96 : index
      %swap3A_225 = tpu.vector_load %arg12[%swap3A_223, %swap3A_224] {strides = array<i32>} : memref<128x128xf32, #tpu.memory_space<vmem>>, vector<1x16xf32>,
      %swap3A_226 = vector.shape_cast %swap3A_225 : vector<1x16xf32> to vector<16xf32>
      %swap3A_227 = vector.shape_cast %get3A_222 : vector<16xf32> to vector<1x16xf32>
      tpu.vector_store %arg12[%swap3A_223, %swap3A_224], %swap3A_227 {strides = array<i32>} : memref<128x128xf32, #tpu.memory_space<vmem>>, vector<1x16xf32>,
      %get3A_228 = arith.index_cast %scan3A_202 : i32 to index
      %get3A_229 = arith.constant 16 : index
      %get3A_230 = tpu.vector_load %arg14[%get3A_228, %get3A_229] {strides = array<i32>} : memref<128x128xf32, #tpu.memory_space<vmem>>, vector<1x16xf32>,
      %get3A_231 = vector.shape_cast %get3A_230 : vector<1x16xf32> to vector<16xf32>
      %swap3A_232 = arith.index_cast %scan3A_202 : i32 to index
      %swap3A_233 = arith.constant 112 : index
      %swap3A_234 = tpu.vector_load %arg12[%swap3A_232, %swap3A_233] {strides = array<i32>} : memref<128x128xf32, #tpu.memory_space<vmem>>, vector<1x16xf32>,
      %swap3A_235 = vector.shape_cast %swap3A_234 : vector<1x16xf32> to vector<16xf32>
      %swap3A_236 = vector.shape_cast %get3A_231 : vector<16xf32> to vector<1x16xf32>
      tpu.vector_store %arg12[%swap3A_232, %swap3A_233], %swap3A_236 {strides = array<i32>} : memref<128x128xf32, #tpu.memory_space<vmem>>, vector<1x16xf32>,
    }
    %scan3A_49 = arith.constant 128 : i32
    %add3A_50 = arith.constant 0 : i32
    %add3A_51 = arith.addi %mul3A_2, %add3A_50 : i32
    "tpu.region"() ({
      %run_scoped3A = tpu.sem_alloc : memref<!tpu.dma_semaphore, #tpu.memory_space<semaphore_mem>>
      %dma_start3A_202 = arith.constant 0 : i32
      %dma_start3A_203 = tpu.memref_slice %arg8[%add3A_51, %dma_start3A_202] : memref<16384x128xf32, #tpu.memory_space<hbm>> -> memref<128x128xf32, #tpu.memory_space<hbm>>
      %dma_start3A_204 = arith.constant 0 : i32
      %dma_start3A_205 = tpu.memref_slice %arg8[%add3A_51, %dma_start3A_204] : memref<16384x128xf32, #tpu.memory_space<hbm>> -> memref<128x128xf32, #tpu.memory_space<hbm>>
      tpu.enqueue_dma source(%arg12 : memref<128x128xf32, #tpu.memory_space<vmem>>) target(%dma_start3A_205 : memref<128x128xf32, #tpu.memory_space<hbm>>) target_semaphore(%run_scoped3A : memref<!tpu.dma_semaphore, #tpu.memory_space<semaphore_mem>>)
      %dma_wait3A_206 = arith.constant 0 : i32
      %dma_wait3A_207 = tpu.memref_slice %arg8[%add3A_51, %dma_wait3A_206] : memref<16384x128xf32, #tpu.memory_space<hbm>> -> memref<128x128xf32, #tpu.memory_space<hbm>>
      %dma_wait3A_208 = arith.constant 0 : i32
      %dma_wait3A_209 = tpu.memref_slice %arg8[%add3A_51, %dma_wait3A_208] : memref<16384x128xf32, #tpu.memory_space<hbm>> -> memref<128x128xf32, #tpu.memory_space<hbm>>
      tpu.wait_dma2 semaphore(%run_scoped3A : memref<!tpu.dma_semaphore, #tpu.memory_space<semaphore_mem>>) src(%arg12 : memref<128x128xf32, #tpu.memory_space<vmem>>) dst(%dma_wait3A_209 : memref<128x128xf32, #tpu.memory_space<hbm>>)
      tpu.yield
    }) : () -> ()
    %dma_start3A_52 = arith.constant 1 : i32
    %dma_start3A_53 = arith.constant 0 : i32
    %dma_start3A_54 = tpu.memref_slice %arg9[%dma_start3A_52, %dma_start3A_53] : memref<4x128xi32, #tpu.memory_space<vmem>> -> memref<1x128xi32, #tpu.memory_space<vmem>>
    %dma_start3A_55 = tpu.memref_squeeze %dma_start3A_54 : memref<1x128xi32, #tpu.memory_space<vmem>> -> memref<128xi32, #tpu.memory_space<vmem>>
    %dma_start3A_56 = arith.constant 0 : i32
    %dma_start3A_57 = arith.constant 0 : i32
    %dma_start3A_58 = tpu.memref_slice %arg5[%dma_start3A_56, %dma_start3A_57] : memref<100001x128xf32, #tpu.memory_space<hbm>> -> memref<100001x128xf32, #tpu.memory_space<hbm>>
    tpu.enqueue_indirect_dma source(%dma_start3A_58 : memref<100001x128xf32, #tpu.memory_space<hbm>>) target(%arg12 : memref<128x128xf32, #tpu.memory_space<vmem>>) offsets(%dma_start3A_55 : memref<128xi32, #tpu.memory_space<vmem>>) semaphore(%arg15 : memref<!tpu.dma_semaphore, #tpu.memory_space<semaphore_mem>>)
    %dma_start3A_59 = arith.constant 1 : i32
    %dma_start3A_60 = arith.constant 0 : i32
    %dma_start3A_61 = tpu.memref_slice %arg10[%dma_start3A_59, %dma_start3A_60] : memref<4x128xi32, #tpu.memory_space<vmem>> -> memref<1x128xi32, #tpu.memory_space<vmem>>
    %dma_start3A_62 = tpu.memref_squeeze %dma_start3A_61 : memref<1x128xi32, #tpu.memory_space<vmem>> -> memref<128xi32, #tpu.memory_space<vmem>>
    %dma_start3A_63 = arith.constant 0 : i32
    %dma_start3A_64 = arith.constant 0 : i32
    %dma_start3A_65 = tpu.memref_slice %arg6[%dma_start3A_63, %dma_start3A_64] : memref<1001x128xf32, #tpu.memory_space<hbm>> -> memref<1001x128xf32, #tpu.memory_space<hbm>>
    tpu.enqueue_indirect_dma source(%dma_start3A_65 : memref<1001x128xf32, #tpu.memory_space<hbm>>) target(%arg13 : memref<128x128xf32, #tpu.memory_space<vmem>>) offsets(%dma_start3A_62 : memref<128xi32, #tpu.memory_space<vmem>>) semaphore(%arg16 : memref<!tpu.dma_semaphore, #tpu.memory_space<semaphore_mem>>)
    %dma_start3A_66 = arith.constant 1 : i32
    %dma_start3A_67 = arith.constant 0 : i32
    %dma_start3A_68 = tpu.memref_slice %arg11[%dma_start3A_66, %dma_start3A_67] : memref<4x128xi32, #tpu.memory_space<vmem>> -> memref<1x128xi32, #tpu.memory_space<vmem>>
    %dma_start3A_69 = tpu.memref_squeeze %dma_start3A_68 : memref<1x128xi32, #tpu.memory_space<vmem>> -> memref<128xi32, #tpu.memory_space<vmem>>
    %dma_start3A_70 = arith.constant 0 : i32
    %dma_start3A_71 = arith.constant 0 : i32
    %dma_start3A_72 = tpu.memref_slice %arg7[%dma_start3A_70, %dma_start3A_71] : memref<16384x128xf32, #tpu.memory_space<hbm>> -> memref<16384x128xf32, #tpu.memory_space<hbm>>
    tpu.enqueue_indirect_dma source(%dma_start3A_72 : memref<16384x128xf32, #tpu.memory_space<hbm>>) target(%arg14 : memref<128x128xf32, #tpu.memory_space<vmem>>) offsets(%dma_start3A_69 : memref<128xi32, #tpu.memory_space<vmem>>) semaphore(%arg17 : memref<!tpu.dma_semaphore, #tpu.memory_space<semaphore_mem>>)
    %dma_wait3A_73 = arith.constant 1 : i32
    %dma_wait3A_74 = arith.constant 0 : i32
    %dma_wait3A_75 = tpu.memref_slice %arg9[%dma_wait3A_73, %dma_wait3A_74] : memref<4x128xi32, #tpu.memory_space<vmem>> -> memref<1x128xi32, #tpu.memory_space<vmem>>
    %dma_wait3A_76 = tpu.memref_squeeze %dma_wait3A_75 : memref<1x128xi32, #tpu.memory_space<vmem>> -> memref<128xi32, #tpu.memory_space<vmem>>
    %dma_wait3A_77 = arith.constant 0 : i32
    %dma_wait3A_78 = arith.constant 0 : i32
    %dma_wait3A_79 = tpu.memref_slice %arg5[%dma_wait3A_77, %dma_wait3A_78] : memref<100001x128xf32, #tpu.memory_space<hbm>> -> memref<100001x128xf32, #tpu.memory_space<hbm>>
    tpu.wait_indirect_dma semaphore(%arg15 : memref<!tpu.dma_semaphore, #tpu.memory_space<semaphore_mem>>) src(%dma_wait3A_79 : memref<100001x128xf32, #tpu.memory_space<hbm>>) dst(%arg12 : memref<128x128xf32, #tpu.memory_space<vmem>>)
    %dma_wait3A_80 = arith.constant 1 : i32
    %dma_wait3A_81 = arith.constant 0 : i32
    %dma_wait3A_82 = tpu.memref_slice %arg10[%dma_wait3A_80, %dma_wait3A_81] : memref<4x128xi32, #tpu.memory_space<vmem>> -> memref<1x128xi32, #tpu.memory_space<vmem>>
    %dma_wait3A_83 = tpu.memref_squeeze %dma_wait3A_82 : memref<1x128xi32, #tpu.memory_space<vmem>> -> memref<128xi32, #tpu.memory_space<vmem>>
    %dma_wait3A_84 = arith.constant 0 : i32
    %dma_wait3A_85 = arith.constant 0 : i32
    %dma_wait3A_86 = tpu.memref_slice %arg6[%dma_wait3A_84, %dma_wait3A_85] : memref<1001x128xf32, #tpu.memory_space<hbm>> -> memref<1001x128xf32, #tpu.memory_space<hbm>>
    tpu.wait_indirect_dma semaphore(%arg16 : memref<!tpu.dma_semaphore, #tpu.memory_space<semaphore_mem>>) src(%dma_wait3A_86 : memref<1001x128xf32, #tpu.memory_space<hbm>>) dst(%arg13 : memref<128x128xf32, #tpu.memory_space<vmem>>)
    %dma_wait3A_87 = arith.constant 1 : i32
    %dma_wait3A_88 = arith.constant 0 : i32
    %dma_wait3A_89 = tpu.memref_slice %arg11[%dma_wait3A_87, %dma_wait3A_88] : memref<4x128xi32, #tpu.memory_space<vmem>> -> memref<1x128xi32, #tpu.memory_space<vmem>>
    %dma_wait3A_90 = tpu.memref_squeeze %dma_wait3A_89 : memref<1x128xi32, #tpu.memory_space<vmem>> -> memref<128xi32, #tpu.memory_space<vmem>>
    %dma_wait3A_91 = arith.constant 0 : i32
    %dma_wait3A_92 = arith.constant 0 : i32
    %dma_wait3A_93 = tpu.memref_slice %arg7[%dma_wait3A_91, %dma_wait3A_92] : memref<16384x128xf32, #tpu.memory_space<hbm>> -> memref<16384x128xf32, #tpu.memory_space<hbm>>
    tpu.wait_indirect_dma semaphore(%arg17 : memref<!tpu.dma_semaphore, #tpu.memory_space<semaphore_mem>>) src(%dma_wait3A_93 : memref<16384x128xf32, #tpu.memory_space<hbm>>) dst(%arg14 : memref<128x128xf32, #tpu.memory_space<vmem>>)
    %scan3A_94 = arith.constant 0 : i32
    %scan3A_95 = arith.constant 0 : i32
    %scan3A_96 = arith.constant 128 : i32
    %scan3A_97 = arith.addi %scan3A_95, %scan3A_96 : i32
    %scan3A_98 = arith.constant 1 : i32
    scf.for %scan3A_202 = %scan3A_95 to %scan3A_97 step %scan3A_98  : i32 {
      %get3A = arith.index_cast %scan3A_202 : i32 to index
      %get3A_203 = arith.constant 0 : index
      %get3A_204 = tpu.vector_load %arg13[%get3A, %get3A_203] {strides = array<i32>} : memref<128x128xf32, #tpu.memory_space<vmem>>, vector<1x16xf32>,
      %get3A_205 = vector.shape_cast %get3A_204 : vector<1x16xf32> to vector<16xf32>
      %swap3A = arith.index_cast %scan3A_202 : i32 to index
      %swap3A_206 = arith.constant 64 : index
      %swap3A_207 = tpu.vector_load %arg12[%swap3A, %swap3A_206] {strides = array<i32>} : memref<128x128xf32, #tpu.memory_space<vmem>>, vector<1x16xf32>,
      %swap3A_208 = vector.shape_cast %swap3A_207 : vector<1x16xf32> to vector<16xf32>
      %swap3A_209 = vector.shape_cast %get3A_205 : vector<16xf32> to vector<1x16xf32>
      tpu.vector_store %arg12[%swap3A, %swap3A_206], %swap3A_209 {strides = array<i32>} : memref<128x128xf32, #tpu.memory_space<vmem>>, vector<1x16xf32>,
      %get3A_210 = arith.index_cast %scan3A_202 : i32 to index
      %get3A_211 = arith.constant 16 : index
      %get3A_212 = tpu.vector_load %arg13[%get3A_210, %get3A_211] {strides = array<i32>} : memref<128x128xf32, #tpu.memory_space<vmem>>, vector<1x16xf32>,
      %get3A_213 = vector.shape_cast %get3A_212 : vector<1x16xf32> to vector<16xf32>
      %swap3A_214 = arith.index_cast %scan3A_202 : i32 to index
      %swap3A_215 = arith.constant 80 : index
      %swap3A_216 = tpu.vector_load %arg12[%swap3A_214, %swap3A_215] {strides = array<i32>} : memref<128x128xf32, #tpu.memory_space<vmem>>, vector<1x16xf32>,
      %swap3A_217 = vector.shape_cast %swap3A_216 : vector<1x16xf32> to vector<16xf32>
      %swap3A_218 = vector.shape_cast %get3A_213 : vector<16xf32> to vector<1x16xf32>
      tpu.vector_store %arg12[%swap3A_214, %swap3A_215], %swap3A_218 {strides = array<i32>} : memref<128x128xf32, #tpu.memory_space<vmem>>, vector<1x16xf32>,
      %get3A_219 = arith.index_cast %scan3A_202 : i32 to index
      %get3A_220 = arith.constant 0 : index
      %get3A_221 = tpu.vector_load %arg14[%get3A_219, %get3A_220] {strides = array<i32>} : memref<128x128xf32, #tpu.memory_space<vmem>>, vector<1x16xf32>,
      %get3A_222 = vector.shape_cast %get3A_221 : vector<1x16xf32> to vector<16xf32>
      %swap3A_223 = arith.index_cast %scan3A_202 : i32 to index
      %swap3A_224 = arith.constant 96 : index
      %swap3A_225 = tpu.vector_load %arg12[%swap3A_223, %swap3A_224] {strides = array<i32>} : memref<128x128xf32, #tpu.memory_space<vmem>>, vector<1x16xf32>,
      %swap3A_226 = vector.shape_cast %swap3A_225 : vector<1x16xf32> to vector<16xf32>
      %swap3A_227 = vector.shape_cast %get3A_222 : vector<16xf32> to vector<1x16xf32>
      tpu.vector_store %arg12[%swap3A_223, %swap3A_224], %swap3A_227 {strides = array<i32>} : memref<128x128xf32, #tpu.memory_space<vmem>>, vector<1x16xf32>,
      %get3A_228 = arith.index_cast %scan3A_202 : i32 to index
      %get3A_229 = arith.constant 16 : index
      %get3A_230 = tpu.vector_load %arg14[%get3A_228, %get3A_229] {strides = array<i32>} : memref<128x128xf32, #tpu.memory_space<vmem>>, vector<1x16xf32>,
      %get3A_231 = vector.shape_cast %get3A_230 : vector<1x16xf32> to vector<16xf32>
      %swap3A_232 = arith.index_cast %scan3A_202 : i32 to index
      %swap3A_233 = arith.constant 112 : index
      %swap3A_234 = tpu.vector_load %arg12[%swap3A_232, %swap3A_233] {strides = array<i32>} : memref<128x128xf32, #tpu.memory_space<vmem>>, vector<1x16xf32>,
      %swap3A_235 = vector.shape_cast %swap3A_234 : vector<1x16xf32> to vector<16xf32>
      %swap3A_236 = vector.shape_cast %get3A_231 : vector<16xf32> to vector<1x16xf32>
      tpu.vector_store %arg12[%swap3A_232, %swap3A_233], %swap3A_236 {strides = array<i32>} : memref<128x128xf32, #tpu.memory_space<vmem>>, vector<1x16xf32>,
    }
    %scan3A_99 = arith.constant 128 : i32
    %add3A_100 = arith.constant 128 : i32
    %add3A_101 = arith.addi %mul3A_2, %add3A_100 : i32
    "tpu.region"() ({
      %run_scoped3A = tpu.sem_alloc : memref<!tpu.dma_semaphore, #tpu.memory_space<semaphore_mem>>
      %dma_start3A_202 = arith.constant 0 : i32
      %dma_start3A_203 = tpu.memref_slice %arg8[%add3A_101, %dma_start3A_202] : memref<16384x128xf32, #tpu.memory_space<hbm>> -> memref<128x128xf32, #tpu.memory_space<hbm>>
      %dma_start3A_204 = arith.constant 0 : i32
      %dma_start3A_205 = tpu.memref_slice %arg8[%add3A_101, %dma_start3A_204] : memref<16384x128xf32, #tpu.memory_space<hbm>> -> memref<128x128xf32, #tpu.memory_space<hbm>>
      tpu.enqueue_dma source(%arg12 : memref<128x128xf32, #tpu.memory_space<vmem>>) target(%dma_start3A_205 : memref<128x128xf32, #tpu.memory_space<hbm>>) target_semaphore(%run_scoped3A : memref<!tpu.dma_semaphore, #tpu.memory_space<semaphore_mem>>)
      %dma_wait3A_206 = arith.constant 0 : i32
      %dma_wait3A_207 = tpu.memref_slice %arg8[%add3A_101, %dma_wait3A_206] : memref<16384x128xf32, #tpu.memory_space<hbm>> -> memref<128x128xf32, #tpu.memory_space<hbm>>
      %dma_wait3A_208 = arith.constant 0 : i32
      %dma_wait3A_209 = tpu.memref_slice %arg8[%add3A_101, %dma_wait3A_208] : memref<16384x128xf32, #tpu.memory_space<hbm>> -> memref<128x128xf32, #tpu.memory_space<hbm>>
      tpu.wait_dma2 semaphore(%run_scoped3A : memref<!tpu.dma_semaphore, #tpu.memory_space<semaphore_mem>>) src(%arg12 : memref<128x128xf32, #tpu.memory_space<vmem>>) dst(%dma_wait3A_209 : memref<128x128xf32, #tpu.memory_space<hbm>>)
      tpu.yield
    }) : () -> ()
    %dma_start3A_102 = arith.constant 2 : i32
    %dma_start3A_103 = arith.constant 0 : i32
    %dma_start3A_104 = tpu.memref_slice %arg9[%dma_start3A_102, %dma_start3A_103] : memref<4x128xi32, #tpu.memory_space<vmem>> -> memref<1x128xi32, #tpu.memory_space<vmem>>
    %dma_start3A_105 = tpu.memref_squeeze %dma_start3A_104 : memref<1x128xi32, #tpu.memory_space<vmem>> -> memref<128xi32, #tpu.memory_space<vmem>>
    %dma_start3A_106 = arith.constant 0 : i32
    %dma_start3A_107 = arith.constant 0 : i32
    %dma_start3A_108 = tpu.memref_slice %arg5[%dma_start3A_106, %dma_start3A_107] : memref<100001x128xf32, #tpu.memory_space<hbm>> -> memref<100001x128xf32, #tpu.memory_space<hbm>>
    tpu.enqueue_indirect_dma source(%dma_start3A_108 : memref<100001x128xf32, #tpu.memory_space<hbm>>) target(%arg12 : memref<128x128xf32, #tpu.memory_space<vmem>>) offsets(%dma_start3A_105 : memref<128xi32, #tpu.memory_space<vmem>>) semaphore(%arg15 : memref<!tpu.dma_semaphore, #tpu.memory_space<semaphore_mem>>)
    %dma_start3A_109 = arith.constant 2 : i32
    %dma_start3A_110 = arith.constant 0 : i32
    %dma_start3A_111 = tpu.memref_slice %arg10[%dma_start3A_109, %dma_start3A_110] : memref<4x128xi32, #tpu.memory_space<vmem>> -> memref<1x128xi32, #tpu.memory_space<vmem>>
    %dma_start3A_112 = tpu.memref_squeeze %dma_start3A_111 : memref<1x128xi32, #tpu.memory_space<vmem>> -> memref<128xi32, #tpu.memory_space<vmem>>
    %dma_start3A_113 = arith.constant 0 : i32
    %dma_start3A_114 = arith.constant 0 : i32
    %dma_start3A_115 = tpu.memref_slice %arg6[%dma_start3A_113, %dma_start3A_114] : memref<1001x128xf32, #tpu.memory_space<hbm>> -> memref<1001x128xf32, #tpu.memory_space<hbm>>
    tpu.enqueue_indirect_dma source(%dma_start3A_115 : memref<1001x128xf32, #tpu.memory_space<hbm>>) target(%arg13 : memref<128x128xf32, #tpu.memory_space<vmem>>) offsets(%dma_start3A_112 : memref<128xi32, #tpu.memory_space<vmem>>) semaphore(%arg16 : memref<!tpu.dma_semaphore, #tpu.memory_space<semaphore_mem>>)
    %dma_start3A_116 = arith.constant 2 : i32
    %dma_start3A_117 = arith.constant 0 : i32
    %dma_start3A_118 = tpu.memref_slice %arg11[%dma_start3A_116, %dma_start3A_117] : memref<4x128xi32, #tpu.memory_space<vmem>> -> memref<1x128xi32, #tpu.memory_space<vmem>>
    %dma_start3A_119 = tpu.memref_squeeze %dma_start3A_118 : memref<1x128xi32, #tpu.memory_space<vmem>> -> memref<128xi32, #tpu.memory_space<vmem>>
    %dma_start3A_120 = arith.constant 0 : i32
    %dma_start3A_121 = arith.constant 0 : i32
    %dma_start3A_122 = tpu.memref_slice %arg7[%dma_start3A_120, %dma_start3A_121] : memref<16384x128xf32, #tpu.memory_space<hbm>> -> memref<16384x128xf32, #tpu.memory_space<hbm>>
    tpu.enqueue_indirect_dma source(%dma_start3A_122 : memref<16384x128xf32, #tpu.memory_space<hbm>>) target(%arg14 : memref<128x128xf32, #tpu.memory_space<vmem>>) offsets(%dma_start3A_119 : memref<128xi32, #tpu.memory_space<vmem>>) semaphore(%arg17 : memref<!tpu.dma_semaphore, #tpu.memory_space<semaphore_mem>>)
    %dma_wait3A_123 = arith.constant 2 : i32
    %dma_wait3A_124 = arith.constant 0 : i32
    %dma_wait3A_125 = tpu.memref_slice %arg9[%dma_wait3A_123, %dma_wait3A_124] : memref<4x128xi32, #tpu.memory_space<vmem>> -> memref<1x128xi32, #tpu.memory_space<vmem>>
    %dma_wait3A_126 = tpu.memref_squeeze %dma_wait3A_125 : memref<1x128xi32, #tpu.memory_space<vmem>> -> memref<128xi32, #tpu.memory_space<vmem>>
    %dma_wait3A_127 = arith.constant 0 : i32
    %dma_wait3A_128 = arith.constant 0 : i32
    %dma_wait3A_129 = tpu.memref_slice %arg5[%dma_wait3A_127, %dma_wait3A_128] : memref<100001x128xf32, #tpu.memory_space<hbm>> -> memref<100001x128xf32, #tpu.memory_space<hbm>>
    tpu.wait_indirect_dma semaphore(%arg15 : memref<!tpu.dma_semaphore, #tpu.memory_space<semaphore_mem>>) src(%dma_wait3A_129 : memref<100001x128xf32, #tpu.memory_space<hbm>>) dst(%arg12 : memref<128x128xf32, #tpu.memory_space<vmem>>)
    %dma_wait3A_130 = arith.constant 2 : i32
    %dma_wait3A_131 = arith.constant 0 : i32
    %dma_wait3A_132 = tpu.memref_slice %arg10[%dma_wait3A_130, %dma_wait3A_131] : memref<4x128xi32, #tpu.memory_space<vmem>> -> memref<1x128xi32, #tpu.memory_space<vmem>>
    %dma_wait3A_133 = tpu.memref_squeeze %dma_wait3A_132 : memref<1x128xi32, #tpu.memory_space<vmem>> -> memref<128xi32, #tpu.memory_space<vmem>>
    %dma_wait3A_134 = arith.constant 0 : i32
    %dma_wait3A_135 = arith.constant 0 : i32
    %dma_wait3A_136 = tpu.memref_slice %arg6[%dma_wait3A_134, %dma_wait3A_135] : memref<1001x128xf32, #tpu.memory_space<hbm>> -> memref<1001x128xf32, #tpu.memory_space<hbm>>
    tpu.wait_indirect_dma semaphore(%arg16 : memref<!tpu.dma_semaphore, #tpu.memory_space<semaphore_mem>>) src(%dma_wait3A_136 : memref<1001x128xf32, #tpu.memory_space<hbm>>) dst(%arg13 : memref<128x128xf32, #tpu.memory_space<vmem>>)
    %dma_wait3A_137 = arith.constant 2 : i32
    %dma_wait3A_138 = arith.constant 0 : i32
    %dma_wait3A_139 = tpu.memref_slice %arg11[%dma_wait3A_137, %dma_wait3A_138] : memref<4x128xi32, #tpu.memory_space<vmem>> -> memref<1x128xi32, #tpu.memory_space<vmem>>
    %dma_wait3A_140 = tpu.memref_squeeze %dma_wait3A_139 : memref<1x128xi32, #tpu.memory_space<vmem>> -> memref<128xi32, #tpu.memory_space<vmem>>
    %dma_wait3A_141 = arith.constant 0 : i32
    %dma_wait3A_142 = arith.constant 0 : i32
    %dma_wait3A_143 = tpu.memref_slice %arg7[%dma_wait3A_141, %dma_wait3A_142] : memref<16384x128xf32, #tpu.memory_space<hbm>> -> memref<16384x128xf32, #tpu.memory_space<hbm>>
    tpu.wait_indirect_dma semaphore(%arg17 : memref<!tpu.dma_semaphore, #tpu.memory_space<semaphore_mem>>) src(%dma_wait3A_143 : memref<16384x128xf32, #tpu.memory_space<hbm>>) dst(%arg14 : memref<128x128xf32, #tpu.memory_space<vmem>>)
    %scan3A_144 = arith.constant 0 : i32
    %scan3A_145 = arith.constant 0 : i32
    %scan3A_146 = arith.constant 128 : i32
    %scan3A_147 = arith.addi %scan3A_145, %scan3A_146 : i32
    %scan3A_148 = arith.constant 1 : i32
    scf.for %scan3A_202 = %scan3A_145 to %scan3A_147 step %scan3A_148  : i32 {
      %get3A = arith.index_cast %scan3A_202 : i32 to index
      %get3A_203 = arith.constant 0 : index
      %get3A_204 = tpu.vector_load %arg13[%get3A, %get3A_203] {strides = array<i32>} : memref<128x128xf32, #tpu.memory_space<vmem>>, vector<1x16xf32>,
      %get3A_205 = vector.shape_cast %get3A_204 : vector<1x16xf32> to vector<16xf32>
      %swap3A = arith.index_cast %scan3A_202 : i32 to index
      %swap3A_206 = arith.constant 64 : index
      %swap3A_207 = tpu.vector_load %arg12[%swap3A, %swap3A_206] {strides = array<i32>} : memref<128x128xf32, #tpu.memory_space<vmem>>, vector<1x16xf32>,
      %swap3A_208 = vector.shape_cast %swap3A_207 : vector<1x16xf32> to vector<16xf32>
      %swap3A_209 = vector.shape_cast %get3A_205 : vector<16xf32> to vector<1x16xf32>
      tpu.vector_store %arg12[%swap3A, %swap3A_206], %swap3A_209 {strides = array<i32>} : memref<128x128xf32, #tpu.memory_space<vmem>>, vector<1x16xf32>,
      %get3A_210 = arith.index_cast %scan3A_202 : i32 to index
      %get3A_211 = arith.constant 16 : index
      %get3A_212 = tpu.vector_load %arg13[%get3A_210, %get3A_211] {strides = array<i32>} : memref<128x128xf32, #tpu.memory_space<vmem>>, vector<1x16xf32>,
      %get3A_213 = vector.shape_cast %get3A_212 : vector<1x16xf32> to vector<16xf32>
      %swap3A_214 = arith.index_cast %scan3A_202 : i32 to index
      %swap3A_215 = arith.constant 80 : index
      %swap3A_216 = tpu.vector_load %arg12[%swap3A_214, %swap3A_215] {strides = array<i32>} : memref<128x128xf32, #tpu.memory_space<vmem>>, vector<1x16xf32>,
      %swap3A_217 = vector.shape_cast %swap3A_216 : vector<1x16xf32> to vector<16xf32>
      %swap3A_218 = vector.shape_cast %get3A_213 : vector<16xf32> to vector<1x16xf32>
      tpu.vector_store %arg12[%swap3A_214, %swap3A_215], %swap3A_218 {strides = array<i32>} : memref<128x128xf32, #tpu.memory_space<vmem>>, vector<1x16xf32>,
      %get3A_219 = arith.index_cast %scan3A_202 : i32 to index
      %get3A_220 = arith.constant 0 : index
      %get3A_221 = tpu.vector_load %arg14[%get3A_219, %get3A_220] {strides = array<i32>} : memref<128x128xf32, #tpu.memory_space<vmem>>, vector<1x16xf32>,
      %get3A_222 = vector.shape_cast %get3A_221 : vector<1x16xf32> to vector<16xf32>
      %swap3A_223 = arith.index_cast %scan3A_202 : i32 to index
      %swap3A_224 = arith.constant 96 : index
      %swap3A_225 = tpu.vector_load %arg12[%swap3A_223, %swap3A_224] {strides = array<i32>} : memref<128x128xf32, #tpu.memory_space<vmem>>, vector<1x16xf32>,
      %swap3A_226 = vector.shape_cast %swap3A_225 : vector<1x16xf32> to vector<16xf32>
      %swap3A_227 = vector.shape_cast %get3A_222 : vector<16xf32> to vector<1x16xf32>
      tpu.vector_store %arg12[%swap3A_223, %swap3A_224], %swap3A_227 {strides = array<i32>} : memref<128x128xf32, #tpu.memory_space<vmem>>, vector<1x16xf32>,
      %get3A_228 = arith.index_cast %scan3A_202 : i32 to index
      %get3A_229 = arith.constant 16 : index
      %get3A_230 = tpu.vector_load %arg14[%get3A_228, %get3A_229] {strides = array<i32>} : memref<128x128xf32, #tpu.memory_space<vmem>>, vector<1x16xf32>,
      %get3A_231 = vector.shape_cast %get3A_230 : vector<1x16xf32> to vector<16xf32>
      %swap3A_232 = arith.index_cast %scan3A_202 : i32 to index
      %swap3A_233 = arith.constant 112 : index
      %swap3A_234 = tpu.vector_load %arg12[%swap3A_232, %swap3A_233] {strides = array<i32>} : memref<128x128xf32, #tpu.memory_space<vmem>>, vector<1x16xf32>,
      %swap3A_235 = vector.shape_cast %swap3A_234 : vector<1x16xf32> to vector<16xf32>
      %swap3A_236 = vector.shape_cast %get3A_231 : vector<16xf32> to vector<1x16xf32>
      tpu.vector_store %arg12[%swap3A_232, %swap3A_233], %swap3A_236 {strides = array<i32>} : memref<128x128xf32, #tpu.memory_space<vmem>>, vector<1x16xf32>,
    }
    %scan3A_149 = arith.constant 128 : i32
    %add3A_150 = arith.constant 256 : i32
    %add3A_151 = arith.addi %mul3A_2, %add3A_150 : i32
    "tpu.region"() ({
      %run_scoped3A = tpu.sem_alloc : memref<!tpu.dma_semaphore, #tpu.memory_space<semaphore_mem>>
      %dma_start3A_202 = arith.constant 0 : i32
      %dma_start3A_203 = tpu.memref_slice %arg8[%add3A_151, %dma_start3A_202] : memref<16384x128xf32, #tpu.memory_space<hbm>> -> memref<128x128xf32, #tpu.memory_space<hbm>>
      %dma_start3A_204 = arith.constant 0 : i32
      %dma_start3A_205 = tpu.memref_slice %arg8[%add3A_151, %dma_start3A_204] : memref<16384x128xf32, #tpu.memory_space<hbm>> -> memref<128x128xf32, #tpu.memory_space<hbm>>
      tpu.enqueue_dma source(%arg12 : memref<128x128xf32, #tpu.memory_space<vmem>>) target(%dma_start3A_205 : memref<128x128xf32, #tpu.memory_space<hbm>>) target_semaphore(%run_scoped3A : memref<!tpu.dma_semaphore, #tpu.memory_space<semaphore_mem>>)
      %dma_wait3A_206 = arith.constant 0 : i32
      %dma_wait3A_207 = tpu.memref_slice %arg8[%add3A_151, %dma_wait3A_206] : memref<16384x128xf32, #tpu.memory_space<hbm>> -> memref<128x128xf32, #tpu.memory_space<hbm>>
      %dma_wait3A_208 = arith.constant 0 : i32
      %dma_wait3A_209 = tpu.memref_slice %arg8[%add3A_151, %dma_wait3A_208] : memref<16384x128xf32, #tpu.memory_space<hbm>> -> memref<128x128xf32, #tpu.memory_space<hbm>>
      tpu.wait_dma2 semaphore(%run_scoped3A : memref<!tpu.dma_semaphore, #tpu.memory_space<semaphore_mem>>) src(%arg12 : memref<128x128xf32, #tpu.memory_space<vmem>>) dst(%dma_wait3A_209 : memref<128x128xf32, #tpu.memory_space<hbm>>)
      tpu.yield
    }) : () -> ()
    %dma_start3A_152 = arith.constant 3 : i32
    %dma_start3A_153 = arith.constant 0 : i32
    %dma_start3A_154 = tpu.memref_slice %arg9[%dma_start3A_152, %dma_start3A_153] : memref<4x128xi32, #tpu.memory_space<vmem>> -> memref<1x128xi32, #tpu.memory_space<vmem>>
    %dma_start3A_155 = tpu.memref_squeeze %dma_start3A_154 : memref<1x128xi32, #tpu.memory_space<vmem>> -> memref<128xi32, #tpu.memory_space<vmem>>
    %dma_start3A_156 = arith.constant 0 : i32
    %dma_start3A_157 = arith.constant 0 : i32
    %dma_start3A_158 = tpu.memref_slice %arg5[%dma_start3A_156, %dma_start3A_157] : memref<100001x128xf32, #tpu.memory_space<hbm>> -> memref<100001x128xf32, #tpu.memory_space<hbm>>
    tpu.enqueue_indirect_dma source(%dma_start3A_158 : memref<100001x128xf32, #tpu.memory_space<hbm>>) target(%arg12 : memref<128x128xf32, #tpu.memory_space<vmem>>) offsets(%dma_start3A_155 : memref<128xi32, #tpu.memory_space<vmem>>) semaphore(%arg15 : memref<!tpu.dma_semaphore, #tpu.memory_space<semaphore_mem>>)
    %dma_start3A_159 = arith.constant 3 : i32
    %dma_start3A_160 = arith.constant 0 : i32
    %dma_start3A_161 = tpu.memref_slice %arg10[%dma_start3A_159, %dma_start3A_160] : memref<4x128xi32, #tpu.memory_space<vmem>> -> memref<1x128xi32, #tpu.memory_space<vmem>>
    %dma_start3A_162 = tpu.memref_squeeze %dma_start3A_161 : memref<1x128xi32, #tpu.memory_space<vmem>> -> memref<128xi32, #tpu.memory_space<vmem>>
    %dma_start3A_163 = arith.constant 0 : i32
    %dma_start3A_164 = arith.constant 0 : i32
    %dma_start3A_165 = tpu.memref_slice %arg6[%dma_start3A_163, %dma_start3A_164] : memref<1001x128xf32, #tpu.memory_space<hbm>> -> memref<1001x128xf32, #tpu.memory_space<hbm>>
    tpu.enqueue_indirect_dma source(%dma_start3A_165 : memref<1001x128xf32, #tpu.memory_space<hbm>>) target(%arg13 : memref<128x128xf32, #tpu.memory_space<vmem>>) offsets(%dma_start3A_162 : memref<128xi32, #tpu.memory_space<vmem>>) semaphore(%arg16 : memref<!tpu.dma_semaphore, #tpu.memory_space<semaphore_mem>>)
    %dma_start3A_166 = arith.constant 3 : i32
    %dma_start3A_167 = arith.constant 0 : i32
    %dma_start3A_168 = tpu.memref_slice %arg11[%dma_start3A_166, %dma_start3A_167] : memref<4x128xi32, #tpu.memory_space<vmem>> -> memref<1x128xi32, #tpu.memory_space<vmem>>
    %dma_start3A_169 = tpu.memref_squeeze %dma_start3A_168 : memref<1x128xi32, #tpu.memory_space<vmem>> -> memref<128xi32, #tpu.memory_space<vmem>>
    %dma_start3A_170 = arith.constant 0 : i32
    %dma_start3A_171 = arith.constant 0 : i32
    %dma_start3A_172 = tpu.memref_slice %arg7[%dma_start3A_170, %dma_start3A_171] : memref<16384x128xf32, #tpu.memory_space<hbm>> -> memref<16384x128xf32, #tpu.memory_space<hbm>>
    tpu.enqueue_indirect_dma source(%dma_start3A_172 : memref<16384x128xf32, #tpu.memory_space<hbm>>) target(%arg14 : memref<128x128xf32, #tpu.memory_space<vmem>>) offsets(%dma_start3A_169 : memref<128xi32, #tpu.memory_space<vmem>>) semaphore(%arg17 : memref<!tpu.dma_semaphore, #tpu.memory_space<semaphore_mem>>)
    %dma_wait3A_173 = arith.constant 3 : i32
    %dma_wait3A_174 = arith.constant 0 : i32
    %dma_wait3A_175 = tpu.memref_slice %arg9[%dma_wait3A_173, %dma_wait3A_174] : memref<4x128xi32, #tpu.memory_space<vmem>> -> memref<1x128xi32, #tpu.memory_space<vmem>>
    %dma_wait3A_176 = tpu.memref_squeeze %dma_wait3A_175 : memref<1x128xi32, #tpu.memory_space<vmem>> -> memref<128xi32, #tpu.memory_space<vmem>>
    %dma_wait3A_177 = arith.constant 0 : i32
    %dma_wait3A_178 = arith.constant 0 : i32
    %dma_wait3A_179 = tpu.memref_slice %arg5[%dma_wait3A_177, %dma_wait3A_178] : memref<100001x128xf32, #tpu.memory_space<hbm>> -> memref<100001x128xf32, #tpu.memory_space<hbm>>
    tpu.wait_indirect_dma semaphore(%arg15 : memref<!tpu.dma_semaphore, #tpu.memory_space<semaphore_mem>>) src(%dma_wait3A_179 : memref<100001x128xf32, #tpu.memory_space<hbm>>) dst(%arg12 : memref<128x128xf32, #tpu.memory_space<vmem>>)
    %dma_wait3A_180 = arith.constant 3 : i32
    %dma_wait3A_181 = arith.constant 0 : i32
    %dma_wait3A_182 = tpu.memref_slice %arg10[%dma_wait3A_180, %dma_wait3A_181] : memref<4x128xi32, #tpu.memory_space<vmem>> -> memref<1x128xi32, #tpu.memory_space<vmem>>
    %dma_wait3A_183 = tpu.memref_squeeze %dma_wait3A_182 : memref<1x128xi32, #tpu.memory_space<vmem>> -> memref<128xi32, #tpu.memory_space<vmem>>
    %dma_wait3A_184 = arith.constant 0 : i32
    %dma_wait3A_185 = arith.constant 0 : i32
    %dma_wait3A_186 = tpu.memref_slice %arg6[%dma_wait3A_184, %dma_wait3A_185] : memref<1001x128xf32, #tpu.memory_space<hbm>> -> memref<1001x128xf32, #tpu.memory_space<hbm>>
    tpu.wait_indirect_dma semaphore(%arg16 : memref<!tpu.dma_semaphore, #tpu.memory_space<semaphore_mem>>) src(%dma_wait3A_186 : memref<1001x128xf32, #tpu.memory_space<hbm>>) dst(%arg13 : memref<128x128xf32, #tpu.memory_space<vmem>>)
    %dma_wait3A_187 = arith.constant 3 : i32
    %dma_wait3A_188 = arith.constant 0 : i32
    %dma_wait3A_189 = tpu.memref_slice %arg11[%dma_wait3A_187, %dma_wait3A_188] : memref<4x128xi32, #tpu.memory_space<vmem>> -> memref<1x128xi32, #tpu.memory_space<vmem>>
    %dma_wait3A_190 = tpu.memref_squeeze %dma_wait3A_189 : memref<1x128xi32, #tpu.memory_space<vmem>> -> memref<128xi32, #tpu.memory_space<vmem>>
    %dma_wait3A_191 = arith.constant 0 : i32
    %dma_wait3A_192 = arith.constant 0 : i32
    %dma_wait3A_193 = tpu.memref_slice %arg7[%dma_wait3A_191, %dma_wait3A_192] : memref<16384x128xf32, #tpu.memory_space<hbm>> -> memref<16384x128xf32, #tpu.memory_space<hbm>>
    tpu.wait_indirect_dma semaphore(%arg17 : memref<!tpu.dma_semaphore, #tpu.memory_space<semaphore_mem>>) src(%dma_wait3A_193 : memref<16384x128xf32, #tpu.memory_space<hbm>>) dst(%arg14 : memref<128x128xf32, #tpu.memory_space<vmem>>)
    %scan3A_194 = arith.constant 0 : i32
    %scan3A_195 = arith.constant 0 : i32
    %scan3A_196 = arith.constant 128 : i32
    %scan3A_197 = arith.addi %scan3A_195, %scan3A_196 : i32
    %scan3A_198 = arith.constant 1 : i32
    scf.for %scan3A_202 = %scan3A_195 to %scan3A_197 step %scan3A_198  : i32 {
      %get3A = arith.index_cast %scan3A_202 : i32 to index
      %get3A_203 = arith.constant 0 : index
      %get3A_204 = tpu.vector_load %arg13[%get3A, %get3A_203] {strides = array<i32>} : memref<128x128xf32, #tpu.memory_space<vmem>>, vector<1x16xf32>,
      %get3A_205 = vector.shape_cast %get3A_204 : vector<1x16xf32> to vector<16xf32>
      %swap3A = arith.index_cast %scan3A_202 : i32 to index
      %swap3A_206 = arith.constant 64 : index
      %swap3A_207 = tpu.vector_load %arg12[%swap3A, %swap3A_206] {strides = array<i32>} : memref<128x128xf32, #tpu.memory_space<vmem>>, vector<1x16xf32>,
      %swap3A_208 = vector.shape_cast %swap3A_207 : vector<1x16xf32> to vector<16xf32>
      %swap3A_209 = vector.shape_cast %get3A_205 : vector<16xf32> to vector<1x16xf32>
      tpu.vector_store %arg12[%swap3A, %swap3A_206], %swap3A_209 {strides = array<i32>} : memref<128x128xf32, #tpu.memory_space<vmem>>, vector<1x16xf32>,
      %get3A_210 = arith.index_cast %scan3A_202 : i32 to index
      %get3A_211 = arith.constant 16 : index
      %get3A_212 = tpu.vector_load %arg13[%get3A_210, %get3A_211] {strides = array<i32>} : memref<128x128xf32, #tpu.memory_space<vmem>>, vector<1x16xf32>,
      %get3A_213 = vector.shape_cast %get3A_212 : vector<1x16xf32> to vector<16xf32>
      %swap3A_214 = arith.index_cast %scan3A_202 : i32 to index
      %swap3A_215 = arith.constant 80 : index
      %swap3A_216 = tpu.vector_load %arg12[%swap3A_214, %swap3A_215] {strides = array<i32>} : memref<128x128xf32, #tpu.memory_space<vmem>>, vector<1x16xf32>,
      %swap3A_217 = vector.shape_cast %swap3A_216 : vector<1x16xf32> to vector<16xf32>
      %swap3A_218 = vector.shape_cast %get3A_213 : vector<16xf32> to vector<1x16xf32>
      tpu.vector_store %arg12[%swap3A_214, %swap3A_215], %swap3A_218 {strides = array<i32>} : memref<128x128xf32, #tpu.memory_space<vmem>>, vector<1x16xf32>,
      %get3A_219 = arith.index_cast %scan3A_202 : i32 to index
      %get3A_220 = arith.constant 0 : index
      %get3A_221 = tpu.vector_load %arg14[%get3A_219, %get3A_220] {strides = array<i32>} : memref<128x128xf32, #tpu.memory_space<vmem>>, vector<1x16xf32>,
      %get3A_222 = vector.shape_cast %get3A_221 : vector<1x16xf32> to vector<16xf32>
      %swap3A_223 = arith.index_cast %scan3A_202 : i32 to index
      %swap3A_224 = arith.constant 96 : index
      %swap3A_225 = tpu.vector_load %arg12[%swap3A_223, %swap3A_224] {strides = array<i32>} : memref<128x128xf32, #tpu.memory_space<vmem>>, vector<1x16xf32>,
      %swap3A_226 = vector.shape_cast %swap3A_225 : vector<1x16xf32> to vector<16xf32>
      %swap3A_227 = vector.shape_cast %get3A_222 : vector<16xf32> to vector<1x16xf32>
      tpu.vector_store %arg12[%swap3A_223, %swap3A_224], %swap3A_227 {strides = array<i32>} : memref<128x128xf32, #tpu.memory_space<vmem>>, vector<1x16xf32>,
      %get3A_228 = arith.index_cast %scan3A_202 : i32 to index
      %get3A_229 = arith.constant 16 : index
      %get3A_230 = tpu.vector_load %arg14[%get3A_228, %get3A_229] {strides = array<i32>} : memref<128x128xf32, #tpu.memory_space<vmem>>, vector<1x16xf32>,
      %get3A_231 = vector.shape_cast %get3A_230 : vector<1x16xf32> to vector<16xf32>
      %swap3A_232 = arith.index_cast %scan3A_202 : i32 to index
      %swap3A_233 = arith.constant 112 : index
      %swap3A_234 = tpu.vector_load %arg12[%swap3A_232, %swap3A_233] {strides = array<i32>} : memref<128x128xf32, #tpu.memory_space<vmem>>, vector<1x16xf32>,
      %swap3A_235 = vector.shape_cast %swap3A_234 : vector<1x16xf32> to vector<16xf32>
      %swap3A_236 = vector.shape_cast %get3A_231 : vector<16xf32> to vector<1x16xf32>
      tpu.vector_store %arg12[%swap3A_232, %swap3A_233], %swap3A_236 {strides = array<i32>} : memref<128x128xf32, #tpu.memory_space<vmem>>, vector<1x16xf32>,
    }
    %scan3A_199 = arith.constant 128 : i32
    %add3A_200 = arith.constant 384 : i32
    %add3A_201 = arith.addi %mul3A_2, %add3A_200 : i32
    "tpu.region"() ({
      %run_scoped3A = tpu.sem_alloc : memref<!tpu.dma_semaphore, #tpu.memory_space<semaphore_mem>>
      %dma_start3A_202 = arith.constant 0 : i32
      %dma_start3A_203 = tpu.memref_slice %arg8[%add3A_201, %dma_start3A_202] : memref<16384x128xf32, #tpu.memory_space<hbm>> -> memref<128x128xf32, #tpu.memory_space<hbm>>
      %dma_start3A_204 = arith.constant 0 : i32
      %dma_start3A_205 = tpu.memref_slice %arg8[%add3A_201, %dma_start3A_204] : memref<16384x128xf32, #tpu.memory_space<hbm>> -> memref<128x128xf32, #tpu.memory_space<hbm>>
      tpu.enqueue_dma source(%arg12 : memref<128x128xf32, #tpu.memory_space<vmem>>) target(%dma_start3A_205 : memref<128x128xf32, #tpu.memory_space<hbm>>) target_semaphore(%run_scoped3A : memref<!tpu.dma_semaphore, #tpu.memory_space<semaphore_mem>>)
      %dma_wait3A_206 = arith.constant 0 : i32
      %dma_wait3A_207 = tpu.memref_slice %arg8[%add3A_201, %dma_wait3A_206] : memref<16384x128xf32, #tpu.memory_space<hbm>> -> memref<128x128xf32, #tpu.memory_space<hbm>>
      %dma_wait3A_208 = arith.constant 0 : i32
      %dma_wait3A_209 = tpu.memref_slice %arg8[%add3A_201, %dma_wait3A_208] : memref<16384x128xf32, #tpu.memory_space<hbm>> -> memref<128x128xf32, #tpu.memory_space<hbm>>
      tpu.wait_dma2 semaphore(%run_scoped3A : memref<!tpu.dma_semaphore, #tpu.memory_space<semaphore_mem>>) src(%arg12 : memref<128x128xf32, #tpu.memory_space<vmem>>) dst(%dma_wait3A_209 : memref<128x128xf32, #tpu.memory_space<hbm>>)
      tpu.yield
    }) : () -> ()
    return
  }
}

</mosaic_0001>

<sc_bundles>
// kernel: kernel.3.cloned.1.call-start
scs
__scs_entry_jumppad:
0x0: {  	(pc) =	sbr.rel $0x88, $3  }
0x1: {  	(tag) =	ssettag $0x0;
	lr =	simm.s32 $0x1  }
0x2: {  	[smem:$0x3F9C] =	sst lr;
	_ =	strace $0xD0000000  }
0x3: {  	_ = 	snop  }
0x4: {  	_ = 	snop  }
0x5: {  	_ = 	snop  }
0x6: {  	_ = 	snop  }
0x7: {  	_ = 	snop  }
__scs_overlays_trampoline_lowered:
0x8: {  	[smem:$0x3FAB] =	sst s0  }
0x9: {  	[smem:$0x3FAC] =	sst s1  }
0xa: {  	[smem:$0x3FAD] =	sst s2  }
0xb: {  	[smem:$0x3FAE] =	sst s3  }
0xc: {  	[smem:$0x3FAF] =	sst s4  }
0xd: {  	[smem:$0x3FB0] =	sst s5  }
0xe: {  	[smem:$0x3FB1] =	sst s6  }
0xf: {  	[smem:$0x3FB2] =	sst s7  }
0x10: {  	[smem:$0x3FB3] =	sst s8  }
0x11: {  	[smem:$0x3FB4] =	sst s9;
	s0 =	simm.s32 @!p0 $0x0  }
0x12: {  	s1 =	sld [smem:$0x3F9A];
	s0 =	simm.s32 @p0 $0x1  }
0x13: {  	[smem:$0x3FB5] =	sst s0;
	s0 =	simm.s32 @!p1 $0x0  }
0x14: {  	s2 =	sld [smem:$0x3F99];
	s0 =	simm.s32 @p1 $0x1  }
0x15: {  	[smem:$0x3FB6] =	sst s0;
	s0 =	simm.s32 @!p2 $0x0  }
0x16: {  	s3 =	sld [smem:$0x3FDB];
	s0 =	simm.s32 @p2 $0x1  }
0x17: {  	s4 =	simm.s32 $0x1BF5;
	[smem:$0x3FB8] =	sst s0  }
0x18: {  	s0 =	sld [smem:$0x3F9B];
	_ =	swait.ge [sflag:s4], $0x0  }
0x19: {  	s7 =	sld [smem:$0x3F9C]  }
0x1a: {  	s8 =	sadd.s32 $0xFFFFE003, lr  }
0x1b: {  	s9 =	sadd.s32 $0xFFFFFEF7, lr;
	s5 =	simm.s32 $0xFFFFFFFF;
	p2 =	slt.u32 s8, $0xFFFFF086  }
0x1c: {  	p1 =	slt.u32 s9, $0xF7A;
	s5 =	simm.s32 @!p2 $0x0  }
0x1d: {  	s5 =	simm.s32 @p1 $0x1;
	p0 =	seq.s32 s7, s2  }
0x1e: {  	s7 =	smul.u32 @!p0 $0xF7A, s2;
	p2 =	seq.s32 @!p0 s5, $0x0  }
0x1f: {  	s9 =	smul.u32 $0xF7A, s1;
	s8 =	simm.s32 @!p0 $0x1BF5;
	p2 =	por !p2, p0  }
0x20: {  	[sflag:s8] =	ssyncset.s32 @!p0 $0xFFFFF086;
	s6 =	sadd.s32 @!p0 s3, s7;
	s7 =	simm.s32 @!p0 $0x108  }
0x21: {  	s3 =	sadd.s32 s3, s9;
	s6 =	sadd.s32 @!p0 $0x88, s6;
	s7 =	simm.s32 @p2 $0x1082  }
0x22: {  	[simem:s7], [sflag:s8] =	dma.local @!p0 [hbm:s6], $0xF7A  }
0x23: {  	s9 =	sor.u32 $0xD0000000, s2;
	s6 =	simm.s32 $0x108;
	_ =	swait.ge @!p0 [sflag:s8], $0x0  }
0x24: {  	s3 =	sadd.s32 $0x88, s3;
	s6 =	simm.s32 @!p1 $0x1082;
	[sflag:s4] =	ssyncset.s32 $0xFFFFF086  }
0x25: {  	[simem:s6], [sflag:s4] =	dma.local [hbm:s3], $0xF7A  }
0x26: {  	[smem:$0x3F9C] =	sst s1;
	(tag) =	ssettag s2;
	_ =	strace s9  }
0x27: {  	s1 =	sld [smem:$0x3FAC]  }
0x28: {  	s2 =	sld [smem:$0x3FAD]  }
0x29: {  	s4 =	sld [smem:$0x3FAF]  }
0x2a: {  	p0 =	seq.s32 s5, $0x0;
	s5 =	sld [smem:$0x3FB0]  }
0x2b: {  	s6 =	sld [smem:$0x3FB1]  }
0x2c: {  	s7 =	sld [smem:$0x3FB2]  }
0x2d: {  	s3 =	simm.s32 $0x108;
	s8 =	sld [smem:$0x3FB3]  }
0x2e: {  	s3 =	simm.s32 @!p0 $0x1082;
	s9 =	sld [smem:$0x3FB4]  }
0x2f: {  	lr =	sadd.s32 s0, s3;
	s0 =	sld [smem:$0x3FAB]  }
0x30: {  	s3 =	sld [smem:$0x3FAE]  }
0x31: {  	[smem:$0x3FB7] =	sst s10  }
0x32: {  	s10 =	sld [smem:$0x3FB5];
	_ =	sdelay $0x3  }
0x33: {  	p0 =	seq.s32 s10, $0x1;
	s10 =	sld [smem:$0x3FB7];
	_ =	sdelay $0x3  }
0x34: {  	[smem:$0x3FB7] =	sst s10  }
0x35: {  	s10 =	sld [smem:$0x3FB6];
	_ =	sdelay $0x3  }
0x36: {  	p1 =	seq.s32 s10, $0x1;
	s10 =	sld [smem:$0x3FB7];
	_ =	sdelay $0x3  }
0x37: {  	[smem:$0x3FB7] =	sst s10  }
0x38: {  	s10 =	sld [smem:$0x3FB8]  }
0x39: {  	_ = 	snop;
	(pc) =	sbr.ind lr, $3  }
0x3a: {  	_ = 	snop  }
0x3b: {  	_ = 	snop  }
0x3c: {  	p2 =	seq.s32 s10, $0x1;
	s10 =	sld [smem:$0x3FB7]  }
0x3d: {  	_ =	shalt  }
0x3e: {  	_ =	shalt  }
0x3f: {  	_ =	shalt  }
0x40: {  	_ =	shalt  }
0x41: {  	_ =	shalt  }
0x42: {  	_ =	shalt  }
0x43: {  	_ =	shalt  }
0x44: {  	_ =	shalt  }
0x45: {  	_ =	shalt  }
0x46: {  	_ =	shalt  }
0x47: {  	_ =	shalt  }
0x48: {  	_ =	shalt  }
0x49: {  	_ =	shalt  }
0x4a: {  	_ =	shalt  }
0x4b: {  	_ =	shalt  }
0x4c: {  	_ =	shalt  }
0x4d: {  	_ =	shalt  }
0x4e: {  	_ =	shalt  }
0x4f: {  	_ =	shalt  }
0x50: {  	_ =	shalt  }
0x51: {  	_ =	shalt  }
0x52: {  	_ =	shalt  }
0x53: {  	_ =	shalt  }
0x54: {  	_ =	shalt  }
0x55: {  	_ =	shalt  }
0x56: {  	_ =	shalt  }
0x57: {  	_ =	shalt  }
0x58: {  	_ =	shalt  }
0x59: {  	_ =	shalt  }
0x5a: {  	_ =	shalt  }
0x5b: {  	_ =	shalt  }
0x5c: {  	_ =	shalt  }
0x5d: {  	_ =	shalt  }
0x5e: {  	_ =	shalt  }
0x5f: {  	_ =	shalt  }
0x60: {  	_ =	shalt  }
0x61: {  	_ =	shalt  }
0x62: {  	_ =	shalt  }
0x63: {  	_ =	shalt  }
0x64: {  	_ =	shalt  }
0x65: {  	_ =	shalt  }
0x66: {  	_ =	shalt  }
0x67: {  	_ =	shalt  }
0x68: {  	_ =	shalt  }
0x69: {  	_ =	shalt  }
0x6a: {  	_ =	shalt  }
0x6b: {  	_ =	shalt  }
0x6c: {  	_ =	shalt  }
0x6d: {  	_ =	shalt  }
0x6e: {  	_ =	shalt  }
0x6f: {  	_ =	shalt  }
0x70: {  	_ =	shalt  }
0x71: {  	_ =	shalt  }
0x72: {  	_ =	shalt  }
0x73: {  	_ =	shalt  }
0x74: {  	_ =	shalt  }
0x75: {  	_ =	shalt  }
0x76: {  	_ =	shalt  }
0x77: {  	_ =	shalt  }
0x78: {  	_ =	shalt  }
0x79: {  	_ =	shalt  }
0x7a: {  	_ =	shalt  }
0x7b: {  	_ =	shalt  }
0x7c: {  	_ =	shalt  }
0x7d: {  	_ =	shalt  }
0x7e: {  	_ =	shalt  }
0x7f: {  	_ =	shalt  }
0x80: {  	_ =	shalt  }
0x81: {  	_ =	shalt  }
0x82: {  	_ =	shalt  }
0x83: {  	_ =	shalt  }
0x84: {  	_ =	shalt  }
0x85: {  	_ =	shalt  }
0x86: {  	_ =	shalt  }
0x87: {  	_ =	shalt  }
.Lfunc_end0:
.L_simem_size_0:
called_computation_lowered:
.L_overlay_start_0:
0x88: {  	s2 =	sld [smem:$0x3FD9]  }
0x89: {  	s3 =	sld [smem:$0x3FFE];
	_ =	sdelay $0x1  }
0x8a: {  	s1 =	srdreg.scid  }
0x8b: {  	s0 =	sand.u32 $0x1, s1  }
0x8c: {  	s17 =	sshll.u32 s0, $0xA;
	s2 =	sadd.s32 s3, s2  }
0x8d: {  	s2 =	sadd.s32 s2, s17  }
0x8e: {  	[smem:$0x3FC3] =	sst s2  }
0x8f: {  	_ = 	snop  }
0x90: {  	s2 =	sld [smem:$0x3FC9]  }
0x91: {  	s18 =	sld [smem:$0x3FC8]  }
0x92: {  	s4 =	sld [smem:$0x3FD0];
	(tm) =	ssettm $0x1  }
0x93: {  	s5 =	sld [smem:$0x3FFB];
	_ =	sdelay $0x3  }
0x94: {  	_ =	strace s5  }
0x95: {  	s5 =	sld [smem:$0x3FFC];
	_ =	sdelay $0x3  }
0x96: {  	_ =	strace s5  }
0x97: {  	s5 =	sld [smem:$0x3FFD];
	_ =	sdelay $0x3  }
0x98: {  	_ =	strace s5  }
0x99: {  	_ =	strace $0x8FFFFFFF  }
0x9a: {  	s19 =	sld [smem:$0x3FDB];
	_ =	sdelay $0x1  }
0x9b: {  	s6 =	simm.s32 $_scs_section_size  }
0x9c: {  	s7 =	simm.s32 $_size__tile_overlayer_lowered;
	s8 =	simm.s32 $_tile_overlayer_lowered  }
0x9d: {  	s22 =	simm.s32 $0x1BFF;
	s21 =	sshll.u32 s8, $0x1;
	s5 =	sadd.s32 s6, s19  }
0x9e: {  	s9 =	simm.s32 $0x0;
	s20 =	sshll.u32 s7, $0x1;
	s7 =	sadd.s32 s21, s5  }
0x9f: {  	[timem:s9], [sflag:s22] =	dma.local [hbm:s7], s20  }
0xa0: {  	_ =	swait.ge [sflag:s22], s20  }
0xa1: {  	s6 =	ssub.s32 $0x0, s20;
	[sflag:s22] =	ssyncset.done $0x0  }
0xa2: {  	[sflag:s22] =	ssyncadd.s32 s6;
	_ =	sdelay $0x1  }
0xa3: {  	s23 =	simm.s32 $0x1B8B  }
0xa4: {  	_ =	swait.ge [sflag:s23], $0x1  }
0xa5: {  	[sflag:s23] =	ssyncset.done $0x0  }
0xa6: {  	s25 =	simm.s32 $0x1B8E;
	s24 =	sld [smem:$0x3FFE];
	[sflag:s23] =	ssyncadd.s32 $0xFFFFFFFF  }
0xa7: {  	s26 =	simm.s32 $execute0_lowered;
	[smem:$0x3FD2] =	sst s25  }
0xa8: {  	s7 =	sshll.u32 s26, $0x1;
	_ =	strace $0x80000046;
	[dreg:$0x1] =	wrdreg $0xFFFFFFFF  }
0xa9: {  	s28 =	simm.s32 $_size_execute0_lowered;
	s5 =	sadd.s32 s5, s7;
	[dreg:$0x0] =	wrdreg $0x0  }
0xaa: {  	s7 =	sshll.u32 s28, $0x1;
	[dreg:$0x2] =	wrdreg s5  }
0xab: {  	[dreg:$0x3] =	wrdreg s7  }
0xac: {  	[dreg:$0x4] =	wrdreg $0xC0  }
0xad: {  	_ =	task [dreg:s9], $0x5FFFF  }
0xae: {  	[dreg:$0x1] =	wrdreg $0xFFFFFFFF  }
0xaf: {  	[dreg:$0x0] =	wrdreg $0x60  }
0xb0: {  	[dreg:$0x2] =	wrdreg s2  }
0xb1: {  	[dreg:$0x3] =	wrdreg s18  }
0xb2: {  	[dreg:$0x4] =	wrdreg s24  }
0xb3: {  	[dreg:$0x5] =	wrdreg s4  }
0xb4: {  	[dreg:$0x6] =	wrdreg $0x9  }
0xb5: {  	_ =	task.clear_ibuf [dreg:s9], $0x7FFFF;
	_ =	strace $0x90000046  }
0xb6: {  	s29 =	simm.s32 $0x9;
	_ =	strace $0x80000048  }
0xb7: {  	_ =	swait.ge [sflag:s29], $0x1  }
0xb8: {  	[sflag:s29] =	ssyncadd.s32 $0xFFFFFFFF  }
0xb9: {  	_ =	strace $0x90000048  }
0xba: {  	_ =	sfence  }
0xbb: {  	s30 =	sld [smem:$0x0];
	_ =	sdelay $0x2  }
0xbc: {  	s31 =	sshll.u32 s1, $0xD;
	s1 =	sshrl.u32 s1, $0x2  }
0xbd: {  	s3 =	sand.u32 $0x4000, s31;
	s1 =	sadd.s32 s1, s30  }
0xbe: {  	s0 =	sor.u32 s3, s0;
	s1 =	sshll.u32 s1, $0x11  }
0xbf: {  	s0 =	sor.u32 s1, s0  }
0xc0: {  	s0 =	sadd.s32 $0x8F2B, s0  }
0xc1: {  	[sflag:s0] =	ssyncadd.remote.s32 $0x1  }
0xc2: {  	_ =	sfence.sel $0xFFFF  }
0xc3: {  	[dreg:$0x0] =	wrdreg $0xFFFFFFFF;
	(pc) =	sbr.abs _section_cstart, $3  }
0xc4: {  	[dreg:$0x1] =	wrdreg $0xFFFFFFFF  }
0xc5: {  	_ =	task.clear_ibuf [dreg:s9], $0x2FFFF;
	_ =	strace $0x9FFFFFFF  }
0xc6: {  	(tm) =	ssettm $0x7FFFFFFF  }
0xc7: {  	_ =	shalt  }
tec
execute0_lowered:
.L_overlay_start_1:
0x0: {  	(tag) =	ssettag $0x1  }
0x1: {  	s0 =	rddreg [dreg:$0x0]  }
0x2: {  	s1 =	rddreg [dreg:$0x1]  }
0x3: {  	s5 =	rddreg [dreg:$0x2]  }
0x4: {  	s8 =	rddreg [dreg:$0x3];
	s2 =	srdreg.scid  }
0x5: {  	s12 =	stileid.u32;
	s14 =	simm.s32 $0x4;
	s15 =	simm.s32 $0x200  }
0x6: {  	s16 =	simm.s32 $0x400;
	s17 =	simm.s32 $0x80;
	s18 =	simm.s32 $0x600  }
0x7: {  	s19 =	simm.s32 $0x4600;
	s20 =	simm.s32 $0x8600;
	s21 =	simm.s32 $0x1  }
0x8: {  	s22 =	simm.s32 $0x2;
	s23 =	simm.s32 $0x3;
	s28 =	simm.s32 $0x300  }
0x9: {  	s29 =	simm.s32 $0x500;
	s30 =	simm.s32 $0x180;
	s31 =	simm.s32 $0x380  }
0xa: {  	s6 =	sand.u32 $0x1, s2;
	s2 =	simm.s32 $0x0;
	s3 =	sshll.u32 s12, $0x7  }
0xb: {  	s12 =	sshll.u32 s12, $0xE;
	s4 =	sshll.u32 s6, $0x6;
	[smem:$0x7FF] =	sst s2  }
0xc: {  	s10 =	ssub.s32 $0x2, s6;
	s6 =	sshll.u32 s6, $0xD;
	_ =	strace $0x80000047  }
0xd: {  	s7 =	sor.u32 s4, s3;
	s3 =	sadd.s32 $0x187C00, s5;
	s4 =	sadd.s32 $0x41000, s5  }
0xe: {  	s11 =	sshrl.u32 s10, $0x1;
	s26 =	sor.u32 s6, s12;
	s9 =	sadd.s32 s7, s5  }
0xf: {  	s5 =	sadd.s32 $0x1000, s5;
	s13 =	ssub.s32 s10, s11;
	s6 =	sadd.s32 s0, s7  }
0x10: {  	s7 =	sadd.s32 s1, s7;
	s8 =	sadd.s32 s8, s26;
	s0 =	simm.s32 $0x580  }
0x11: {  	s1 =	simm.s32 $0x0;
	s9 =	sadd.s32 $0x800, s9;
	s10 =	sadd.s32 $0x800, s8  }
0x12: {  	s11 =	sadd.s32 $0x1000, s8;
	s12 =	sadd.s32 $0x1800, s8;
	s13 =	smax.u32 s13, $0x1  }
.LBB2_1:
0x13: {  	[tilespmem:s2], [sflag:$0x4] =	stream.linear.gather [hbm4b:s6+s2], $0x200, $0x38;
	[tilespmem:$0xC600] =	vst v63  }
0x14: {  	_ =	swait.ge [sflag:s14], $0x200  }
0x15: {  	[sflag:s14] =	ssyncset.done $0x0  }
0x16: {  	[sflag:s14] =	ssyncadd.s32 $0xFFFFFE00  }
0x17: {  	[tilespmem:s15], [sflag:$0x4] =	stream.linear.gather [hbm4b:s7+s2], $0x200, $0x38;
	[tilespmem:$0xC600] =	vst v63  }
0x18: {  	_ =	swait.ge [sflag:s14], $0x200  }
0x19: {  	[sflag:s14] =	ssyncset.done $0x0  }
0x1a: {  	[sflag:s14] =	ssyncadd.s32 $0xFFFFFE00  }
0x1b: {  	[tilespmem:s16], [sflag:$0x4] =	stream.linear.gather [hbm4b:s9+s2], $0x200, $0x38;
	[tilespmem:$0xC600] =	vst v63  }
0x1c: {  	_ =	swait.ge [sflag:s14], $0x200  }
0x1d: {  	[sflag:s14] =	ssyncset.done $0x0  }
0x1e: {  	[sflag:s14] =	ssyncadd.s32 $0xFFFFFE00  }
0x1f: {  	[tilespmem:s18], [sflag:$0x1] =	stream.indirect.gather [hbm4b:s3+s17], $0x80, s2, s17, $0xb8;
	[tilespmem:$0xC600] =	vst v63  }
0x20: {  	_ = 	snop  }
0x21: {  	[tilespmem:s19], [sflag:$0x2] =	stream.indirect.gather [hbm4b:s4+s17], $0x80, s15, s17, $0xb8;
	[tilespmem:$0xC600] =	vst v63  }
0x22: {  	_ = 	snop  }
0x23: {  	[tilespmem:s20], [sflag:$0x3] =	stream.indirect.gather [hbm4b:s5+s17], $0x80, s16, s17, $0xb8;
	[tilespmem:$0xC600] =	vst v63  }
0x24: {  	_ =	swait.ge [sflag:s21], $0x4000  }
0x25: {  	[sflag:s21] =	ssyncset.done $0x0  }
0x26: {  	[sflag:s21] =	ssyncadd.s32 $0xFFFFC000  }
0x27: {  	_ =	swait.ge [sflag:s22], $0x4000  }
0x28: {  	[sflag:s22] =	ssyncset.done $0x0  }
0x29: {  	[sflag:s22] =	ssyncadd.s32 $0xFFFFC000  }
0x2a: {  	_ =	swait.ge [sflag:s23], $0x4000  }
0x2b: {  	[sflag:s23] =	ssyncset.done $0x0  }
0x2c: {  	s24 =	simm.s32 $0x0;
	[sflag:s23] =	ssyncadd.s32 $0xFFFFC000  }
0x2d: {  	v0 =	vld [tilespmem:s24+$0x8610]  }
0x2e: {  	v1 =	vld [tilespmem:s24+$0x4600]  }
0x2f: {  	v2 =	vld [tilespmem:s24+$0x4610]  }
0x30: {  	s25 =	simm.s32 $0x200;
	v3 =	vld [tilespmem:s24+$0x8600]  }
.LBB2_2:
0x31: {  	p0 =	sne.s32 s25, $0xFE00  }
.Ltmp0:
0x32: {  	s26 =	sshra.s32 s25, $0x2;
	s25 =	sadd.s32 $0x200, s25;
	[tilespmem:s24+$0x670] =	vst v0;
	(pc) =	sbr.rel @p0 .LBB2_2-.Ltmp0, $4  }
0x33: {  	v0 =	vld [tilespmem:s26+$0x8610];
	[tilespmem:s24+$0x640] =	vst v1  }
0x34: {  	v1 =	vld [tilespmem:s26+$0x4600];
	[tilespmem:s24+$0x650] =	vst v2  }
0x35: {  	v2 =	vld [tilespmem:s26+$0x4610];
	[tilespmem:s24+$0x660] =	vst v3;
	s24 =	smov.u32 s26  }
0x36: {  	v3 =	vld [tilespmem:s24+$0x8600]  }
0x37: {  	_ = 	snop  }
0x38: {  	[tilespmem:s24+$0x670] =	vst v0  }
0x39: {  	[tilespmem:s24+$0x640] =	vst v1  }
0x3a: {  	[tilespmem:s24+$0x650] =	vst v2  }
0x3b: {  	s26 =	simm.s32 $0x0;
	[tilespmem:s24+$0x660] =	vst v3  }
0x3c: {  	[hbm4b:s8+s26] =	stream.linear.scatter [tilespmem:s18], [sflag:$0x4], $0x4000, $0x38;
	[tilespmem:$0xC600] =	vst v63  }
0x3d: {  	_ =	swait.ge [sflag:s14], $0x4000  }
0x3e: {  	[sflag:s14] =	ssyncset.done $0x0  }
0x3f: {  	[sflag:s14] =	ssyncadd.s32 $0xFFFFC000  }
0x40: {  	[tilespmem:s18], [sflag:$0x1] =	stream.indirect.gather [hbm4b:s3+s17], $0x80, s17, s17, $0xb8;
	[tilespmem:$0xC600] =	vst v63  }
0x41: {  	s25 =	simm.s32 $0x280  }
0x42: {  	[tilespmem:s19], [sflag:$0x2] =	stream.indirect.gather [hbm4b:s4+s17], $0x80, s25, s17, $0xb8;
	[tilespmem:$0xC600] =	vst v63  }
0x43: {  	s26 =	simm.s32 $0x480  }
0x44: {  	[tilespmem:s20], [sflag:$0x3] =	stream.indirect.gather [hbm4b:s5+s17], $0x80, s26, s17, $0xb8;
	[tilespmem:$0xC600] =	vst v63  }
0x45: {  	_ =	swait.ge [sflag:s21], $0x4000  }
0x46: {  	[sflag:s21] =	ssyncset.done $0x0  }
0x47: {  	[sflag:s21] =	ssyncadd.s32 $0xFFFFC000  }
0x48: {  	_ =	swait.ge [sflag:s22], $0x4000  }
0x49: {  	[sflag:s22] =	ssyncset.done $0x0  }
0x4a: {  	[sflag:s22] =	ssyncadd.s32 $0xFFFFC000  }
0x4b: {  	_ =	swait.ge [sflag:s23], $0x4000  }
0x4c: {  	[sflag:s23] =	ssyncset.done $0x0  }
0x4d: {  	s24 =	simm.s32 $0x0;
	[sflag:s23] =	ssyncadd.s32 $0xFFFFC000  }
0x4e: {  	v0 =	vld [tilespmem:s24+$0x8610]  }
0x4f: {  	v1 =	vld [tilespmem:s24+$0x4600]  }
0x50: {  	v2 =	vld [tilespmem:s24+$0x4610]  }
0x51: {  	s25 =	simm.s32 $0x200;
	v3 =	vld [tilespmem:s24+$0x8600]  }
.LBB2_4:
0x52: {  	p0 =	sne.s32 s25, $0xFE00  }
.Ltmp1:
0x53: {  	s26 =	sshra.s32 s25, $0x2;
	s25 =	sadd.s32 $0x200, s25;
	[tilespmem:s24+$0x670] =	vst v0;
	(pc) =	sbr.rel @p0 .LBB2_4-.Ltmp1, $4  }
0x54: {  	v0 =	vld [tilespmem:s26+$0x8610];
	[tilespmem:s24+$0x640] =	vst v1  }
0x55: {  	v1 =	vld [tilespmem:s26+$0x4600];
	[tilespmem:s24+$0x650] =	vst v2  }
0x56: {  	v2 =	vld [tilespmem:s26+$0x4610];
	[tilespmem:s24+$0x660] =	vst v3;
	s24 =	smov.u32 s26  }
0x57: {  	v3 =	vld [tilespmem:s24+$0x8600]  }
0x58: {  	_ = 	snop  }
0x59: {  	[tilespmem:s24+$0x670] =	vst v0  }
0x5a: {  	[tilespmem:s24+$0x640] =	vst v1  }
0x5b: {  	[tilespmem:s24+$0x650] =	vst v2  }
0x5c: {  	s25 =	simm.s32 $0x0;
	[tilespmem:s24+$0x660] =	vst v3  }
0x5d: {  	[hbm4b:s10+s25] =	stream.linear.scatter [tilespmem:s18], [sflag:$0x4], $0x4000, $0x38;
	[tilespmem:$0xC600] =	vst v63  }
0x5e: {  	_ =	swait.ge [sflag:s14], $0x4000  }
0x5f: {  	[sflag:s14] =	ssyncset.done $0x0  }
0x60: {  	s26 =	simm.s32 $0x100;
	[sflag:s14] =	ssyncadd.s32 $0xFFFFC000  }
0x61: {  	[tilespmem:s18], [sflag:$0x1] =	stream.indirect.gather [hbm4b:s3+s17], $0x80, s26, s17, $0xb8;
	[tilespmem:$0xC600] =	vst v63  }
0x62: {  	_ = 	snop  }
0x63: {  	[tilespmem:s19], [sflag:$0x2] =	stream.indirect.gather [hbm4b:s4+s17], $0x80, s28, s17, $0xb8;
	[tilespmem:$0xC600] =	vst v63  }
0x64: {  	_ = 	snop  }
0x65: {  	[tilespmem:s20], [sflag:$0x3] =	stream.indirect.gather [hbm4b:s5+s17], $0x80, s29, s17, $0xb8;
	[tilespmem:$0xC600] =	vst v63  }
0x66: {  	_ =	swait.ge [sflag:s21], $0x4000  }
0x67: {  	[sflag:s21] =	ssyncset.done $0x0  }
0x68: {  	[sflag:s21] =	ssyncadd.s32 $0xFFFFC000  }
0x69: {  	_ =	swait.ge [sflag:s22], $0x4000  }
0x6a: {  	[sflag:s22] =	ssyncset.done $0x0  }
0x6b: {  	[sflag:s22] =	ssyncadd.s32 $0xFFFFC000  }
0x6c: {  	_ =	swait.ge [sflag:s23], $0x4000  }
0x6d: {  	[sflag:s23] =	ssyncset.done $0x0  }
0x6e: {  	s24 =	simm.s32 $0x0;
	[sflag:s23] =	ssyncadd.s32 $0xFFFFC000  }
0x6f: {  	v0 =	vld [tilespmem:s24+$0x8610]  }
0x70: {  	v1 =	vld [tilespmem:s24+$0x4600]  }
0x71: {  	v2 =	vld [tilespmem:s24+$0x4610]  }
0x72: {  	s25 =	simm.s32 $0x200;
	v3 =	vld [tilespmem:s24+$0x8600]  }
.LBB2_6:
0x73: {  	p0 =	sne.s32 s25, $0xFE00  }
.Ltmp2:
0x74: {  	s26 =	sshra.s32 s25, $0x2;
	s25 =	sadd.s32 $0x200, s25;
	[tilespmem:s24+$0x670] =	vst v0;
	(pc) =	sbr.rel @p0 .LBB2_6-.Ltmp2, $4  }
0x75: {  	v0 =	vld [tilespmem:s26+$0x8610];
	[tilespmem:s24+$0x640] =	vst v1  }
0x76: {  	v1 =	vld [tilespmem:s26+$0x4600];
	[tilespmem:s24+$0x650] =	vst v2  }
0x77: {  	v2 =	vld [tilespmem:s26+$0x4610];
	[tilespmem:s24+$0x660] =	vst v3;
	s24 =	smov.u32 s26  }
0x78: {  	v3 =	vld [tilespmem:s24+$0x8600]  }
0x79: {  	_ = 	snop  }
0x7a: {  	[tilespmem:s24+$0x670] =	vst v0  }
0x7b: {  	[tilespmem:s24+$0x640] =	vst v1  }
0x7c: {  	[tilespmem:s24+$0x650] =	vst v2  }
0x7d: {  	s26 =	simm.s32 $0x0;
	[tilespmem:s24+$0x660] =	vst v3  }
0x7e: {  	[hbm4b:s11+s26] =	stream.linear.scatter [tilespmem:s18], [sflag:$0x4], $0x4000, $0x38;
	[tilespmem:$0xC600] =	vst v63  }
0x7f: {  	_ =	swait.ge [sflag:s14], $0x4000  }
0x80: {  	[sflag:s14] =	ssyncset.done $0x0  }
0x81: {  	[sflag:s14] =	ssyncadd.s32 $0xFFFFC000  }
0x82: {  	[tilespmem:s18], [sflag:$0x1] =	stream.indirect.gather [hbm4b:s3+s17], $0x80, s30, s17, $0xb8;
	[tilespmem:$0xC600] =	vst v63  }
0x83: {  	_ = 	snop  }
0x84: {  	[tilespmem:s19], [sflag:$0x2] =	stream.indirect.gather [hbm4b:s4+s17], $0x80, s31, s17, $0xb8;
	[tilespmem:$0xC600] =	vst v63  }
0x85: {  	_ = 	snop  }
0x86: {  	[tilespmem:s20], [sflag:$0x3] =	stream.indirect.gather [hbm4b:s5+s17], $0x80, s0, s17, $0xb8;
	[tilespmem:$0xC600] =	vst v63  }
0x87: {  	_ =	swait.ge [sflag:s21], $0x4000  }
0x88: {  	[sflag:s21] =	ssyncset.done $0x0  }
0x89: {  	[sflag:s21] =	ssyncadd.s32 $0xFFFFC000  }
0x8a: {  	_ =	swait.ge [sflag:s22], $0x4000  }
0x8b: {  	[sflag:s22] =	ssyncset.done $0x0  }
0x8c: {  	[sflag:s22] =	ssyncadd.s32 $0xFFFFC000  }
0x8d: {  	_ =	swait.ge [sflag:s23], $0x4000  }
0x8e: {  	[sflag:s23] =	ssyncset.done $0x0  }
0x8f: {  	s24 =	simm.s32 $0x0;
	[sflag:s23] =	ssyncadd.s32 $0xFFFFC000  }
0x90: {  	v0 =	vld [tilespmem:s24+$0x8610]  }
0x91: {  	v1 =	vld [tilespmem:s24+$0x4600]  }
0x92: {  	v2 =	vld [tilespmem:s24+$0x4610]  }
0x93: {  	s25 =	simm.s32 $0x200;
	v3 =	vld [tilespmem:s24+$0x8600]  }
.LBB2_8:
0x94: {  	p0 =	sne.s32 s25, $0xFE00  }
.Ltmp3:
0x95: {  	s26 =	sshra.s32 s25, $0x2;
	s25 =	sadd.s32 $0x200, s25;
	[tilespmem:s24+$0x670] =	vst v0;
	(pc) =	sbr.rel @p0 .LBB2_8-.Ltmp3, $4  }
0x96: {  	v0 =	vld [tilespmem:s26+$0x8610];
	[tilespmem:s24+$0x640] =	vst v1  }
0x97: {  	v1 =	vld [tilespmem:s26+$0x4600];
	[tilespmem:s24+$0x650] =	vst v2  }
0x98: {  	v2 =	vld [tilespmem:s26+$0x4610];
	[tilespmem:s24+$0x660] =	vst v3;
	s24 =	smov.u32 s26  }
0x99: {  	v3 =	vld [tilespmem:s24+$0x8600]  }
0x9a: {  	_ = 	snop  }
0x9b: {  	[tilespmem:s24+$0x670] =	vst v0  }
0x9c: {  	s1 =	sadd.s32 $0x1, s1;
	[tilespmem:s24+$0x640] =	vst v1  }
0x9d: {  	p0 =	sne.s32 s1, s13;
	[tilespmem:s24+$0x650] =	vst v2  }
.Ltmp4:
0x9e: {  	[tilespmem:s24+$0x660] =	vst v3;
	(pc) =	sbr.rel @p0 .LBB2_1-.Ltmp4, $4  }
0x9f: {  	[hbm4b:s12+s2] =	stream.linear.scatter [tilespmem:s18], [sflag:$0x4], $0x4000, $0x38;
	[tilespmem:$0xC600] =	vst v63  }
0xa0: {  	_ =	swait.ge [sflag:s14], $0x4000  }
0xa1: {  	[sflag:s14] =	ssyncset.done $0x0  }
0xa2: {  	[sflag:s14] =	ssyncadd.s32 $0xFFFFC000  }
0xa3: {  	_ =	sfence.sel $0x180000  }
0xa4: {  	[bflag:$0x0] =	sbarrier.arrive $0xFFFF  }
0xa5: {  	_ =	strace $0x90000047  }
0xa6: {  	s0 =	stileid.u32;
	[bflag:$0x2] =	sbarrier.arrive $0xFFFF  }
0xa7: {  	p0 =	sne.s32 s0, $0x0;
	s0 =	rddreg [dreg:$0x4]  }
0xa8: {  	s0 =	sadd.s32 @!p0 $0x100000, s0  }
0xa9: {  	[sflag:s0] =	ssyncadd.tile.s32 @!p0 $0x1;
	_ =	shalt  }
.Lfunc_end2:
_tile_overlayer_lowered:
.L_overlay_start_2:
0xaa: {  	(tag) =	ssettag $0x2  }
0xab: {  	s0 =	rddreg [dreg:$0x0];
	s2 =	stileid.u32  }
0xac: {  	s1 =	rddreg [dreg:$0x1];
	p0 =	sne.s32 s2, $0x0  }
0xad: {  	s3 =	rddreg [dreg:$0x2];
	[bflag:$0x3] =	sbarrier.arrive $0xFFFF;
	s2 =	simm.s32 @!p0 $0x1C04  }
0xae: {  	[timem:s3], [sflag:s2] =	dma.local @!p0 [hbm:s0], s1  }
0xaf: {  	s0 =	simm.s32 @!p0 $0x4  }
0xb0: {  	_ =	swait.ge @!p0 [sflag:s0], s1  }
0xb1: {  	s1 =	ssub.s32 @!p0 $0x0, s1;
	[sflag:s0] =	ssyncset.done @!p0 $0x0  }
0xb2: {  	[sflag:s0] =	ssyncadd.s32 @!p0 s1  }
0xb3: {  	[bflag:$0x3] =	sbarrier.arrive $0xFFFF  }
0xb4: {  	_ =	shalt  }

</sc_bundles>
